<compile_context>
chip_gen: v7x
topology: tpu7x:2x2x1
jax: 0.10.2.dev20260603
libtpu: 0.0.44.dev20260713+nightly
codegen_flags: <defaults>
</compile_context>

<pallas_src>
import functools

import jax
import jax.numpy as jnp
from jax import lax
from jax.experimental import pallas as pl
from jax.experimental.pallas import tpu as pltpu
from jax.experimental.pallas import tpu_sc as plsc

_B, _C, _N, _K = 2, 256, 16384, 16
_DS, _OUT = 8, 128
_HP = lax.Precision.DEFAULT


_NB1 = 2048


def _ds_kernel(feats_ref, dsw_ref, dsb_ref, w1_ref, f_ref, gc_ref):
    fb = feats_ref[0]
    w = dsw_ref[...]
    r = lax.dot_general(fb, w, (((0,), (1,)), ((), ())),
                        precision=_HP,
                        preferred_element_type=jnp.float32)
    r = r + dsb_ref[...]
    f_ref[0] = r
    gc_ref[0] = lax.dot_general(r, w1_ref[...], (((1,), (1,)), ((), ())),
                                precision=_HP,
                                preferred_element_type=jnp.float32)


def _make_f(feats, ds_W, ds_b2, W1):
    return pl.pallas_call(
        _ds_kernel,
        grid=(_B, _N // _NB1),
        in_specs=[
            pl.BlockSpec((1, _C, _NB1), lambda b, t: (b, 0, t)),
            pl.BlockSpec((_DS, _C), lambda b, t: (0, 0)),
            pl.BlockSpec((1, _DS), lambda b, t: (0, 0)),
            pl.BlockSpec((_OUT, _DS), lambda b, t: (0, 0)),
        ],
        out_specs=[
            pl.BlockSpec((1, _NB1, _DS), lambda b, t: (b, t, 0)),
            pl.BlockSpec((1, _NB1, _OUT), lambda b, t: (b, t, 0)),
        ],
        out_shape=[
            jax.ShapeDtypeStruct((_B, _N, _DS), jnp.float32),
            jax.ShapeDtypeStruct((_B, _N, _OUT), jnp.float32),
        ],
    )(feats, ds_W, ds_b2, W1)



_NW = 32
_CH = 128
_CPW = (_B * _N * _K) // (_NW * _CH)
_G = 4
_NG = _CPW // _G


def _sc_gather(table, idx_flat):
    mesh = plsc.VectorSubcoreMesh(core_axis_name="c", subcore_axis_name="s")

    @functools.partial(
        pl.kernel,
        mesh=mesh,
        out_type=jax.ShapeDtypeStruct((_B * _N * _K, _DS), jnp.float32),
        compiler_params=pltpu.CompilerParams(use_tc_tiling_on_sc=False),
        scratch_types=[
            pltpu.VMEM((_CPW * _CH,), jnp.int32),
            pltpu.VMEM((2, _G * _CH, _DS), jnp.float32),
            pltpu.SemaphoreType.DMA,
            pltpu.SemaphoreType.DMA,
        ],
    )
    def k(table_hbm, idx_hbm, nn_hbm, idx_v, rows_v, sem0, sem1):
        wid = lax.axis_index("s") * 2 + lax.axis_index("c")
        base = wid * (_CPW * _CH)
        pltpu.sync_copy(idx_hbm.at[pl.ds(base, _CPW * _CH)], idx_v)
        boff = (wid // 16) * _N
        tab = table_hbm.at[pl.ds(boff, _N)]
        sems = (sem0, sem1)

        def startg(g, slot):
            for i in range(_G):
                pltpu.async_copy(
                    tab.at[idx_v.at[pl.ds((g * _G + i) * _CH, _CH)]],
                    rows_v.at[slot, pl.ds(i * _CH, _CH)], sems[slot])

        def draing(g, slot):
            for i in range(_G):
                pltpu.make_async_copy(
                    tab.at[idx_v.at[pl.ds((g * _G + i) * _CH, _CH)]],
                    rows_v.at[slot, pl.ds(i * _CH, _CH)], sems[slot]).wait()

        def wb(g, slot):
            pltpu.sync_copy(rows_v.at[slot],
                            nn_hbm.at[pl.ds(base + g * _G * _CH, _G * _CH)])

        startg(0, 0)

        def body(p, _):
            g = 2 * p
            startg(g + 1, 1)
            draing(g, 0)
            wb(g, 0)
            startg(g + 2, 0)
            draing(g + 1, 1)
            wb(g + 1, 1)
            return 0

        lax.fori_loop(0, _NG // 2 - 1, body, 0)
        g_last = _NG - 2
        startg(g_last + 1, 1)
        draing(g_last, 0)
        wb(g_last, 0)
        draing(g_last + 1, 1)
        wb(g_last + 1, 1)

    return k(table, idx_flat)



_NB = 1024


def _stats_kernel(gc_ref, nn_ref, kj_ref, b1_ref, ones_ref, o1_ref, og_ref,
                  oc_ref):
    step = pl.program_id(0) * pl.num_programs(1) + pl.program_id(1)

    @pl.when(step == 0)
    def _():
        o1_ref[...] = jnp.zeros_like(o1_ref)
        og_ref[...] = jnp.zeros_like(og_ref)
        oc_ref[...] = jnp.zeros_like(oc_ref)

    gcb = gc_ref[0] + b1_ref[...]
    nn = nn_ref[0]
    nnb = nn.astype(jnp.bfloat16)
    g = lax.dot_general(nnb, nnb, (((0,), (0,)), ((), ())),
                        precision=_HP,
                        preferred_element_type=jnp.float32)
    nnsum = lax.dot_general(nn, kj_ref[...], (((1,), (0,)), ((), ())),
                            precision=_HP,
                            preferred_element_type=jnp.float32)
    c = lax.dot_general(gcb, nnsum, (((0,), (0,)), ((), ())),
                        precision=_HP,
                        preferred_element_type=jnp.float32)
    ones = ones_ref[...]
    a1 = lax.dot_general(ones, gcb, (((1,), (0,)), ((), ())),
                         precision=_HP,
                         preferred_element_type=jnp.float32)
    a2 = lax.dot_general(ones, gcb * gcb, (((1,), (0,)), ((), ())),
                         precision=_HP,
                         preferred_element_type=jnp.float32)
    t8 = lax.dot_general(ones, nnsum, (((1,), (0,)), ((), ())),
                         precision=_HP,
                         preferred_element_type=jnp.float32)
    t8p = jnp.pad(t8, ((0, 0), (0, _OUT - _DS)))
    o1_ref[...] += jnp.concatenate([a1, a2, t8p], axis=0)
    og_ref[...] += g
    oc_ref[...] += c


def _stats(gc, nn128, kj, b1_2, ones):
    return pl.pallas_call(
        _stats_kernel,
        grid=(_B, _N // _NB),
        in_specs=[
            pl.BlockSpec((1, _NB, _OUT), lambda b, t: (b, t, 0)),
            pl.BlockSpec((1, _NB, _K * _DS), lambda b, t: (b, t, 0)),
            pl.BlockSpec((_K * _DS, _DS), lambda b, t: (0, 0)),
            pl.BlockSpec((1, _OUT), lambda b, t: (0, 0)),
            pl.BlockSpec((1, _NB), lambda b, t: (0, 0)),
        ],
        out_specs=[
            pl.BlockSpec((3, _OUT), lambda b, t: (0, 0)),
            pl.BlockSpec((_K * _DS, _K * _DS), lambda b, t: (0, 0)),
            pl.BlockSpec((_OUT, _DS), lambda b, t: (0, 0)),
        ],
        out_shape=[
            jax.ShapeDtypeStruct((3, _OUT), jnp.float32),
            jax.ShapeDtypeStruct((_K * _DS, _K * _DS), jnp.float32),
            jax.ShapeDtypeStruct((_OUT, _DS), jnp.float32),
        ],
    )(gc, nn128, kj, b1_2, ones)




def _main_kernel(gc_ref, nn_ref, bd_ref, b1_ref, ae_ref, w2p_ref, b2_ref,
                 o_ref):
    gc = gc_ref[0]
    nn = nn_ref[0].astype(jnp.bfloat16)
    gn = lax.dot_general(nn, bd_ref[...], (((1,), (0,)), ((), ())),
                         precision=_HP,
                         preferred_element_type=jnp.float32
                         ).astype(jnp.bfloat16)
    a = ae_ref[0][None, :]
    e = ae_ref[1][None, :]
    ab = a.astype(jnp.bfloat16)
    gcb = ((gc + b1_ref[...]) * a + e).astype(jnp.bfloat16)
    zero = jnp.bfloat16(0.0)
    rs = []
    for m in range(0, _K, 2):
        h0 = gcb - gn[:, m * _OUT:(m + 1) * _OUT] * ab
        h1 = gcb - gn[:, (m + 1) * _OUT:(m + 2) * _OUT] * ab
        rs.append(jnp.concatenate(
            [jnp.maximum(h0, zero), jnp.maximum(h1, zero)], axis=1))
    r = jnp.concatenate(rs, axis=0)
    y = lax.dot_general(r, w2p_ref[...], (((1,), (0,)), ((), ())),
                        precision=_HP,
                        preferred_element_type=jnp.float32)
    ym2 = jnp.max(y.reshape(_K // 2, _NB, 2 * _OUT), axis=0)
    ym = (jnp.maximum(ym2[:, :_OUT], ym2[:, _OUT:]) + b2_ref[...])
    o_ref[0] = ym.T


def _main(gc, nn128, bd, b1_2, ae, w2p, b2_2):
    return pl.pallas_call(
        _main_kernel,
        grid=(_B, _N // _NB),
        in_specs=[
            pl.BlockSpec((1, _NB, _OUT), lambda b, t: (b, t, 0)),
            pl.BlockSpec((1, _NB, _K * _DS), lambda b, t: (b, t, 0)),
            pl.BlockSpec((_K * _DS, _K * _OUT), lambda b, t: (0, 0)),
            pl.BlockSpec((1, _OUT), lambda b, t: (0, 0)),
            pl.BlockSpec((2, _OUT), lambda b, t: (0, 0)),
            pl.BlockSpec((2 * _OUT, 2 * _OUT), lambda b, t: (0, 0)),
            pl.BlockSpec((1, _OUT), lambda b, t: (0, 0)),
        ],
        out_specs=pl.BlockSpec((1, _OUT, _NB), lambda b, t: (b, 0, t)),
        out_shape=jax.ShapeDtypeStruct((_B, _OUT, _N), jnp.float32),
    )(gc, nn128, bd, b1_2, ae, w2p, b2_2)




def kernel(feats, idxs, ds_W, ds_b, W1, b1, gamma, beta, W2, b2):
    feats3 = feats.reshape(_B, _C, _N)
    f, gc = _make_f(feats3, ds_W, ds_b.reshape(1, _DS), W1)

    idx_flat = idxs.astype(jnp.int32).reshape(-1)
    nn = _sc_gather(f.reshape(_B * _N, _DS), idx_flat)
    nn128 = nn.reshape(_B, _N, _K * _DS)

    bd = (jnp.eye(_K, dtype=jnp.float32)[:, None, :, None]
          * W1.T[None, :, None, :]).reshape(_K * _DS, _K * _OUT)
    bd = bd.astype(jnp.bfloat16)
    z = jnp.zeros((_OUT, _OUT), jnp.float32)
    w2p = jnp.block([[W2.T, z], [z, W2.T]]).astype(jnp.bfloat16)

    b1_2 = b1.reshape(1, _OUT)
    kj = jnp.tile(jnp.eye(_DS, dtype=jnp.float32), (_K, 1))
    ones = jnp.ones((1, _NB), jnp.float32)
    st1, stg, stc = _stats(gc, nn128, kj, b1_2, ones)
    cnt = float(_B * _N * _K)
    a1, a2, t8 = st1[0], st1[1], st1[2, :_DS]
    m2f = sum(stg[8 * m:8 * m + 8, 8 * m:8 * m + 8] for m in range(_K))
    sum_h = _K * a1 - W1 @ t8
    term2 = jnp.sum(W1 * stc, axis=1)
    term3 = jnp.sum((W1 @ m2f) * W1, axis=1)
    sum_h2 = _K * a2 - 2.0 * term2 + term3
    mean = sum_h / cnt
    var = sum_h2 / cnt - mean * mean
    a = gamma * lax.rsqrt(var + 1e-5)
    e = beta - mean * a
    ae = jnp.stack([a, e])

    out = _main(gc, nn128, bd, b1_2, ae, w2p, b2.reshape(1, _OUT))
    return out.reshape(_B, _OUT, _N, 1)

# --- scband reference (transcript-rebuilt; emitter-appended) ---
"""Pipeline reference for scband-knnfeats-43920335569215 (READ-ONLY COPY).

The authoritative reference and input builder live on the scoring server;
editing this copy changes nothing except your own understanding.
"""

import jax, jax.numpy as jnp
import numpy as np

B, C_IN, N, K = 2, 256, 16384, 16
DS, OUT = 8, 128

def setup_inputs(seed: int = 0) -> dict:
    key = jax.random.key(seed)
    ks = jax.random.split(key, 10)
    feats = jax.random.normal(ks[0], (B, C_IN, N, 1), dtype=jnp.float32)
    idxs = jax.random.randint(ks[1], (B, N, K), 0, N, dtype=jnp.int64)
    ds_W = jax.random.normal(ks[2], (DS, C_IN), dtype=jnp.float32) * (1.0 / np.sqrt(C_IN))
    ds_b = jnp.zeros((DS,), dtype=jnp.float32)
    W1 = jax.random.normal(ks[3], (OUT, DS), dtype=jnp.float32) * (1.0 / np.sqrt(DS))
    b1 = jnp.zeros((OUT,), dtype=jnp.float32)
    gamma = jnp.ones((OUT,), dtype=jnp.float32)
    beta = jnp.zeros((OUT,), dtype=jnp.float32)
    W2 = jax.random.normal(ks[4], (OUT, OUT), dtype=jnp.float32) * (1.0 / np.sqrt(OUT))
    b2 = jnp.zeros((OUT,), dtype=jnp.float32)
    return {"feats": feats, "idxs": idxs, "ds_W": ds_W, "ds_b": ds_b,
            "W1": W1, "b1": b1, "gamma": gamma, "beta": beta, "W2": W2, "b2": b2}

def _get_knn_feats(f, idxs):
    # f: [B, C, N, 1]; idxs: [B, N, K] -> [B, C, N, K]
    b, c, n, _ = f.shape
    k = idxs.shape[2]
    ft = f[:, :, :, 0]  # [B, C, N]
    idx_flat = idxs.reshape(b, 1, n * k)
    idx_bc = jnp.broadcast_to(idx_flat, (b, c, n * k))
    nn = jnp.take_along_axis(ft, idx_bc, axis=2)
    return nn.reshape(b, c, n, k)

def reference(feats, idxs, ds_W, ds_b, W1, b1, gamma, beta, W2, b2):
    # downsample conv 1x1
    f = jnp.einsum('oc,bcnk->bonk', ds_W, feats) + ds_b[None, :, None, None]
    k = idxs.shape[2]
    nn_feats = _get_knn_feats(f, idxs)
    nn_feats_diff = jnp.repeat(f, k, axis=3) - nn_feats  # [B, DS, N, K]
    # mlp: conv1x1 -> BN (training-mode batch stats) -> ReLU -> conv1x1
    h = jnp.einsum('oc,bcnk->bonk', W1, nn_feats_diff) + b1[None, :, None, None]
    mean = jnp.mean(h, axis=(0, 2, 3), keepdims=True)
    var = jnp.var(h, axis=(0, 2, 3), keepdims=True)
    h = (h - mean) / jnp.sqrt(var + 1e-5) * gamma[None, :, None, None] + beta[None, :, None, None]
    h = jax.nn.relu(h)
    h = jnp.einsum('oc,bcnk->bonk', W2, h) + b2[None, :, None, None]
    feats_out = jnp.max(h, axis=3, keepdims=True)  # [B, OUT, N, 1]
    return feats_out

if __name__ == "__main__":
    import jax
    _d = setup_inputs()
    print(jax.jit(kernel)(*tuple(_d.values())))

</pallas_src>

<mosaic_0001>
#map = affine_map<(d0, d1) -> (0, 0)>
#map1 = affine_map<(d0, d1) -> (0)>
module attributes {stable_mosaic.version = 14 : i64} {
  func.func @k(%arg0: i32, %arg1: i32, %arg2: memref<32768x8xf32, #tpu.memory_space<hbm>>, %arg3: memref<524288xi32, #tpu.memory_space<hbm>>, %arg4: memref<524288x8xf32, #tpu.memory_space<hbm>>, %arg5: memref<16384xi32, #tpu.memory_space<vmem>>, %arg6: memref<2x512x8xf32, #tpu.memory_space<vmem>>, %arg7: memref<!tpu.dma_semaphore, #tpu.memory_space<semaphore_mem>>, %arg8: memref<!tpu.dma_semaphore, #tpu.memory_space<semaphore_mem>>) attributes {dimension_semantics = [#tpu.dimension_semantics<core_parallel>, #tpu.dimension_semantics<subcore_parallel>], iteration_bounds = array<i64: 2, 16>, scalar_prefetch = 0 : i64, scratch_operands = 4 : i64, tpu.core_type = #tpu.core_type<sc_vector_subcore>, window_params = [{transform_indices = #map}, {transform_indices = #map1}, {transform_indices = #map}]} {
    %mul3A = arith.constant 2 : i32
    %mul3A_0 = arith.muli %arg1, %mul3A : i32
    %add3A = arith.addi %mul3A_0, %arg0 : i32
    %mul3A_1 = arith.constant 16384 : i32
    %mul3A_2 = arith.muli %add3A, %mul3A_1 : i32
    "tpu.region"() ({
      %run_scoped3A_222 = tpu.sem_alloc : memref<!tpu.dma_semaphore, #tpu.memory_space<semaphore_mem>>
      %dma_start3A_223 = tpu.memref_slice %arg3[%mul3A_2] : memref<524288xi32, #tpu.memory_space<hbm>> -> memref<16384xi32, #tpu.memory_space<hbm>>
      %dma_start3A_224 = tpu.memref_slice %arg3[%mul3A_2] : memref<524288xi32, #tpu.memory_space<hbm>> -> memref<16384xi32, #tpu.memory_space<hbm>>
      tpu.enqueue_dma source(%dma_start3A_224 : memref<16384xi32, #tpu.memory_space<hbm>>) target(%arg5 : memref<16384xi32, #tpu.memory_space<vmem>>) target_semaphore(%run_scoped3A_222 : memref<!tpu.dma_semaphore, #tpu.memory_space<semaphore_mem>>)
      %dma_wait3A_225 = tpu.memref_slice %arg3[%mul3A_2] : memref<524288xi32, #tpu.memory_space<hbm>> -> memref<16384xi32, #tpu.memory_space<hbm>>
      %dma_wait3A_226 = tpu.memref_slice %arg3[%mul3A_2] : memref<524288xi32, #tpu.memory_space<hbm>> -> memref<16384xi32, #tpu.memory_space<hbm>>
      tpu.wait_dma2 semaphore(%run_scoped3A_222 : memref<!tpu.dma_semaphore, #tpu.memory_space<semaphore_mem>>) src(%dma_wait3A_226 : memref<16384xi32, #tpu.memory_space<hbm>>) dst(%arg5 : memref<16384xi32, #tpu.memory_space<vmem>>)
      tpu.yield
    }) : () -> ()
    %jit3A = arith.constant 16 : i32
    %div3A = arith.divsi %add3A, %jit3A : i32
    %sign3A = arith.constant 0 : i32
    %sign3A_3 = arith.cmpi sgt, %add3A, %sign3A : i32
    %sign3A_4 = arith.extui %sign3A_3 : i1 to i32
    %sign3A_5 = arith.constant 0 : i32
    %sign3A_6 = arith.cmpi slt, %add3A, %sign3A_5 : i32
    %sign3A_7 = arith.extui %sign3A_6 : i1 to i32
    %sign3A_8 = arith.subi %sign3A_4, %sign3A_7 : i32
    %sign3A_9 = arith.constant 0 : i32
    %sign3A_10 = arith.cmpi sgt, %jit3A, %sign3A_9 : i32
    %sign3A_11 = arith.extui %sign3A_10 : i1 to i32
    %sign3A_12 = arith.constant 0 : i32
    %sign3A_13 = arith.cmpi slt, %jit3A, %sign3A_12 : i32
    %sign3A_14 = arith.extui %sign3A_13 : i1 to i32
    %sign3A_15 = arith.subi %sign3A_11, %sign3A_14 : i32
    %ne3A = arith.cmpi ne, %sign3A_8, %sign3A_15 : i32
    %rem3A = arith.remsi %add3A, %jit3A : i32
    %ne3A_16 = arith.constant 0 : i32
    %ne3A_17 = arith.cmpi ne, %rem3A, %ne3A_16 : i32
    %and3A = arith.andi %ne3A, %ne3A_17 : i1
    %sub3A = arith.constant 1 : i32
    %sub3A_18 = arith.subi %div3A, %sub3A : i32
    %select_n3A = arith.select %and3A, %sub3A_18, %div3A : i32
    %mul3A_19 = arith.constant 16384 : i32
    %mul3A_20 = arith.muli %select_n3A, %mul3A_19 : i32
    %dma_start3A = arith.constant 0 : i32
    %dma_start3A_21 = arith.constant 0 : i32
    %dma_start3A_22 = arith.constant 0 : i32
    %dma_start3A_23 = tpu.memref_slice %arg6[%dma_start3A, %dma_start3A_21, %dma_start3A_22] : memref<2x512x8xf32, #tpu.memory_space<vmem>> -> memref<1x128x8xf32, #tpu.memory_space<vmem>>
    %dma_start3A_24 = tpu.memref_squeeze %dma_start3A_23 : memref<1x128x8xf32, #tpu.memory_space<vmem>> -> memref<128x8xf32, #tpu.memory_space<vmem>>
    %dma_start3A_25 = arith.constant 0 : i32
    %dma_start3A_26 = tpu.memref_slice %arg5[%dma_start3A_25] : memref<16384xi32, #tpu.memory_space<vmem>> -> memref<128xi32, #tpu.memory_space<vmem>>
    %dma_start3A_27 = arith.constant 0 : i32
    %dma_start3A_28 = tpu.memref_slice %arg2[%mul3A_20, %dma_start3A_27] : memref<32768x8xf32, #tpu.memory_space<hbm>> -> memref<16384x8xf32, #tpu.memory_space<hbm>>
    %dma_start3A_29 = arith.constant 0 : i32
    %dma_start3A_30 = arith.constant 0 : i32
    %dma_start3A_31 = tpu.memref_slice %dma_start3A_28[%dma_start3A_29, %dma_start3A_30] : memref<16384x8xf32, #tpu.memory_space<hbm>> -> memref<16384x8xf32, #tpu.memory_space<hbm>>
    tpu.enqueue_indirect_dma source(%dma_start3A_31 : memref<16384x8xf32, #tpu.memory_space<hbm>>) target(%dma_start3A_24 : memref<128x8xf32, #tpu.memory_space<vmem>>) offsets(%dma_start3A_26 : memref<128xi32, #tpu.memory_space<vmem>>) semaphore(%arg7 : memref<!tpu.dma_semaphore, #tpu.memory_space<semaphore_mem>>)
    %dma_start3A_32 = arith.constant 0 : i32
    %dma_start3A_33 = arith.constant 128 : i32
    %dma_start3A_34 = arith.constant 0 : i32
    %dma_start3A_35 = tpu.memref_slice %arg6[%dma_start3A_32, %dma_start3A_33, %dma_start3A_34] : memref<2x512x8xf32, #tpu.memory_space<vmem>> -> memref<1x128x8xf32, #tpu.memory_space<vmem>>
    %dma_start3A_36 = tpu.memref_squeeze %dma_start3A_35 : memref<1x128x8xf32, #tpu.memory_space<vmem>> -> memref<128x8xf32, #tpu.memory_space<vmem>>
    %dma_start3A_37 = arith.constant 128 : i32
    %dma_start3A_38 = tpu.memref_slice %arg5[%dma_start3A_37] : memref<16384xi32, #tpu.memory_space<vmem>> -> memref<128xi32, #tpu.memory_space<vmem>>
    %dma_start3A_39 = arith.constant 0 : i32
    %dma_start3A_40 = tpu.memref_slice %arg2[%mul3A_20, %dma_start3A_39] : memref<32768x8xf32, #tpu.memory_space<hbm>> -> memref<16384x8xf32, #tpu.memory_space<hbm>>
    %dma_start3A_41 = arith.constant 0 : i32
    %dma_start3A_42 = arith.constant 0 : i32
    %dma_start3A_43 = tpu.memref_slice %dma_start3A_40[%dma_start3A_41, %dma_start3A_42] : memref<16384x8xf32, #tpu.memory_space<hbm>> -> memref<16384x8xf32, #tpu.memory_space<hbm>>
    tpu.enqueue_indirect_dma source(%dma_start3A_43 : memref<16384x8xf32, #tpu.memory_space<hbm>>) target(%dma_start3A_36 : memref<128x8xf32, #tpu.memory_space<vmem>>) offsets(%dma_start3A_38 : memref<128xi32, #tpu.memory_space<vmem>>) semaphore(%arg7 : memref<!tpu.dma_semaphore, #tpu.memory_space<semaphore_mem>>)
    %dma_start3A_44 = arith.constant 0 : i32
    %dma_start3A_45 = arith.constant 256 : i32
    %dma_start3A_46 = arith.constant 0 : i32
    %dma_start3A_47 = tpu.memref_slice %arg6[%dma_start3A_44, %dma_start3A_45, %dma_start3A_46] : memref<2x512x8xf32, #tpu.memory_space<vmem>> -> memref<1x128x8xf32, #tpu.memory_space<vmem>>
    %dma_start3A_48 = tpu.memref_squeeze %dma_start3A_47 : memref<1x128x8xf32, #tpu.memory_space<vmem>> -> memref<128x8xf32, #tpu.memory_space<vmem>>
    %dma_start3A_49 = arith.constant 256 : i32
    %dma_start3A_50 = tpu.memref_slice %arg5[%dma_start3A_49] : memref<16384xi32, #tpu.memory_space<vmem>> -> memref<128xi32, #tpu.memory_space<vmem>>
    %dma_start3A_51 = arith.constant 0 : i32
    %dma_start3A_52 = tpu.memref_slice %arg2[%mul3A_20, %dma_start3A_51] : memref<32768x8xf32, #tpu.memory_space<hbm>> -> memref<16384x8xf32, #tpu.memory_space<hbm>>
    %dma_start3A_53 = arith.constant 0 : i32
    %dma_start3A_54 = arith.constant 0 : i32
    %dma_start3A_55 = tpu.memref_slice %dma_start3A_52[%dma_start3A_53, %dma_start3A_54] : memref<16384x8xf32, #tpu.memory_space<hbm>> -> memref<16384x8xf32, #tpu.memory_space<hbm>>
    tpu.enqueue_indirect_dma source(%dma_start3A_55 : memref<16384x8xf32, #tpu.memory_space<hbm>>) target(%dma_start3A_48 : memref<128x8xf32, #tpu.memory_space<vmem>>) offsets(%dma_start3A_50 : memref<128xi32, #tpu.memory_space<vmem>>) semaphore(%arg7 : memref<!tpu.dma_semaphore, #tpu.memory_space<semaphore_mem>>)
    %dma_start3A_56 = arith.constant 0 : i32
    %dma_start3A_57 = arith.constant 384 : i32
    %dma_start3A_58 = arith.constant 0 : i32
    %dma_start3A_59 = tpu.memref_slice %arg6[%dma_start3A_56, %dma_start3A_57, %dma_start3A_58] : memref<2x512x8xf32, #tpu.memory_space<vmem>> -> memref<1x128x8xf32, #tpu.memory_space<vmem>>
    %dma_start3A_60 = tpu.memref_squeeze %dma_start3A_59 : memref<1x128x8xf32, #tpu.memory_space<vmem>> -> memref<128x8xf32, #tpu.memory_space<vmem>>
    %dma_start3A_61 = arith.constant 384 : i32
    %dma_start3A_62 = tpu.memref_slice %arg5[%dma_start3A_61] : memref<16384xi32, #tpu.memory_space<vmem>> -> memref<128xi32, #tpu.memory_space<vmem>>
    %dma_start3A_63 = arith.constant 0 : i32
    %dma_start3A_64 = tpu.memref_slice %arg2[%mul3A_20, %dma_start3A_63] : memref<32768x8xf32, #tpu.memory_space<hbm>> -> memref<16384x8xf32, #tpu.memory_space<hbm>>
    %dma_start3A_65 = arith.constant 0 : i32
    %dma_start3A_66 = arith.constant 0 : i32
    %dma_start3A_67 = tpu.memref_slice %dma_start3A_64[%dma_start3A_65, %dma_start3A_66] : memref<16384x8xf32, #tpu.memory_space<hbm>> -> memref<16384x8xf32, #tpu.memory_space<hbm>>
    tpu.enqueue_indirect_dma source(%dma_start3A_67 : memref<16384x8xf32, #tpu.memory_space<hbm>>) target(%dma_start3A_60 : memref<128x8xf32, #tpu.memory_space<vmem>>) offsets(%dma_start3A_62 : memref<128xi32, #tpu.memory_space<vmem>>) semaphore(%arg7 : memref<!tpu.dma_semaphore, #tpu.memory_space<semaphore_mem>>)
    %scan3A = arith.constant 0 : i32
    %scan3A_68 = arith.constant 0 : i32
    %scan3A_69 = arith.constant 15 : i32
    %scan3A_70 = arith.addi %scan3A_68, %scan3A_69 : i32
    %scan3A_71 = arith.constant 1 : i32
    %scan3A_72 = scf.for %scan3A_222 = %scan3A_68 to %scan3A_70 step %scan3A_71 iter_args(%scan3A_223 = %scan3A) -> (i32)  : i32 {
      %mul3A_224 = arith.constant 2 : i32
      %mul3A_225 = arith.muli %mul3A_224, %scan3A_222 : i32
      %add3A_226 = arith.constant 1 : i32
      %add3A_227 = arith.addi %mul3A_225, %add3A_226 : i32
      %mul3A_228 = arith.constant 4 : i32
      %mul3A_229 = arith.muli %add3A_227, %mul3A_228 : i32
      %add3A_230 = arith.constant 0 : i32
      %add3A_231 = arith.addi %mul3A_229, %add3A_230 : i32
      %mul3A_232 = arith.constant 128 : i32
      %mul3A_233 = arith.muli %add3A_231, %mul3A_232 : i32
      %dma_start3A_234 = arith.constant 1 : i32
      %dma_start3A_235 = arith.constant 0 : i32
      %dma_start3A_236 = arith.constant 0 : i32
      %dma_start3A_237 = tpu.memref_slice %arg6[%dma_start3A_234, %dma_start3A_235, %dma_start3A_236] : memref<2x512x8xf32, #tpu.memory_space<vmem>> -> memref<1x128x8xf32, #tpu.memory_space<vmem>>
      %dma_start3A_238 = tpu.memref_squeeze %dma_start3A_237 : memref<1x128x8xf32, #tpu.memory_space<vmem>> -> memref<128x8xf32, #tpu.memory_space<vmem>>
      %dma_start3A_239 = tpu.memref_slice %arg5[%mul3A_233] : memref<16384xi32, #tpu.memory_space<vmem>> -> memref<128xi32, #tpu.memory_space<vmem>>
      %dma_start3A_240 = arith.constant 0 : i32
      %dma_start3A_241 = tpu.memref_slice %arg2[%mul3A_20, %dma_start3A_240] : memref<32768x8xf32, #tpu.memory_space<hbm>> -> memref<16384x8xf32, #tpu.memory_space<hbm>>
      %dma_start3A_242 = arith.constant 0 : i32
      %dma_start3A_243 = arith.constant 0 : i32
      %dma_start3A_244 = tpu.memref_slice %dma_start3A_241[%dma_start3A_242, %dma_start3A_243] : memref<16384x8xf32, #tpu.memory_space<hbm>> -> memref<16384x8xf32, #tpu.memory_space<hbm>>
      tpu.enqueue_indirect_dma source(%dma_start3A_244 : memref<16384x8xf32, #tpu.memory_space<hbm>>) target(%dma_start3A_238 : memref<128x8xf32, #tpu.memory_space<vmem>>) offsets(%dma_start3A_239 : memref<128xi32, #tpu.memory_space<vmem>>) semaphore(%arg8 : memref<!tpu.dma_semaphore, #tpu.memory_space<semaphore_mem>>)
      %mul3A_245 = arith.constant 4 : i32
      %mul3A_246 = arith.muli %add3A_227, %mul3A_245 : i32
      %add3A_247 = arith.constant 1 : i32
      %add3A_248 = arith.addi %mul3A_246, %add3A_247 : i32
      %mul3A_249 = arith.constant 128 : i32
      %mul3A_250 = arith.muli %add3A_248, %mul3A_249 : i32
      %dma_start3A_251 = arith.constant 1 : i32
      %dma_start3A_252 = arith.constant 128 : i32
      %dma_start3A_253 = arith.constant 0 : i32
      %dma_start3A_254 = tpu.memref_slice %arg6[%dma_start3A_251, %dma_start3A_252, %dma_start3A_253] : memref<2x512x8xf32, #tpu.memory_space<vmem>> -> memref<1x128x8xf32, #tpu.memory_space<vmem>>
      %dma_start3A_255 = tpu.memref_squeeze %dma_start3A_254 : memref<1x128x8xf32, #tpu.memory_space<vmem>> -> memref<128x8xf32, #tpu.memory_space<vmem>>
      %dma_start3A_256 = tpu.memref_slice %arg5[%mul3A_250] : memref<16384xi32, #tpu.memory_space<vmem>> -> memref<128xi32, #tpu.memory_space<vmem>>
      %dma_start3A_257 = arith.constant 0 : i32
      %dma_start3A_258 = tpu.memref_slice %arg2[%mul3A_20, %dma_start3A_257] : memref<32768x8xf32, #tpu.memory_space<hbm>> -> memref<16384x8xf32, #tpu.memory_space<hbm>>
      %dma_start3A_259 = arith.constant 0 : i32
      %dma_start3A_260 = arith.constant 0 : i32
      %dma_start3A_261 = tpu.memref_slice %dma_start3A_258[%dma_start3A_259, %dma_start3A_260] : memref<16384x8xf32, #tpu.memory_space<hbm>> -> memref<16384x8xf32, #tpu.memory_space<hbm>>
      tpu.enqueue_indirect_dma source(%dma_start3A_261 : memref<16384x8xf32, #tpu.memory_space<hbm>>) target(%dma_start3A_255 : memref<128x8xf32, #tpu.memory_space<vmem>>) offsets(%dma_start3A_256 : memref<128xi32, #tpu.memory_space<vmem>>) semaphore(%arg8 : memref<!tpu.dma_semaphore, #tpu.memory_space<semaphore_mem>>)
      %mul3A_262 = arith.constant 4 : i32
      %mul3A_263 = arith.muli %add3A_227, %mul3A_262 : i32
      %add3A_264 = arith.constant 2 : i32
      %add3A_265 = arith.addi %mul3A_263, %add3A_264 : i32
      %mul3A_266 = arith.constant 128 : i32
      %mul3A_267 = arith.muli %add3A_265, %mul3A_266 : i32
      %dma_start3A_268 = arith.constant 1 : i32
      %dma_start3A_269 = arith.constant 256 : i32
      %dma_start3A_270 = arith.constant 0 : i32
      %dma_start3A_271 = tpu.memref_slice %arg6[%dma_start3A_268, %dma_start3A_269, %dma_start3A_270] : memref<2x512x8xf32, #tpu.memory_space<vmem>> -> memref<1x128x8xf32, #tpu.memory_space<vmem>>
      %dma_start3A_272 = tpu.memref_squeeze %dma_start3A_271 : memref<1x128x8xf32, #tpu.memory_space<vmem>> -> memref<128x8xf32, #tpu.memory_space<vmem>>
      %dma_start3A_273 = tpu.memref_slice %arg5[%mul3A_267] : memref<16384xi32, #tpu.memory_space<vmem>> -> memref<128xi32, #tpu.memory_space<vmem>>
      %dma_start3A_274 = arith.constant 0 : i32
      %dma_start3A_275 = tpu.memref_slice %arg2[%mul3A_20, %dma_start3A_274] : memref<32768x8xf32, #tpu.memory_space<hbm>> -> memref<16384x8xf32, #tpu.memory_space<hbm>>
      %dma_start3A_276 = arith.constant 0 : i32
      %dma_start3A_277 = arith.constant 0 : i32
      %dma_start3A_278 = tpu.memref_slice %dma_start3A_275[%dma_start3A_276, %dma_start3A_277] : memref<16384x8xf32, #tpu.memory_space<hbm>> -> memref<16384x8xf32, #tpu.memory_space<hbm>>
      tpu.enqueue_indirect_dma source(%dma_start3A_278 : memref<16384x8xf32, #tpu.memory_space<hbm>>) target(%dma_start3A_272 : memref<128x8xf32, #tpu.memory_space<vmem>>) offsets(%dma_start3A_273 : memref<128xi32, #tpu.memory_space<vmem>>) semaphore(%arg8 : memref<!tpu.dma_semaphore, #tpu.memory_space<semaphore_mem>>)
      %mul3A_279 = arith.constant 4 : i32
      %mul3A_280 = arith.muli %add3A_227, %mul3A_279 : i32
      %add3A_281 = arith.constant 3 : i32
      %add3A_282 = arith.addi %mul3A_280, %add3A_281 : i32
      %mul3A_283 = arith.constant 128 : i32
      %mul3A_284 = arith.muli %add3A_282, %mul3A_283 : i32
      %dma_start3A_285 = arith.constant 1 : i32
      %dma_start3A_286 = arith.constant 384 : i32
      %dma_start3A_287 = arith.constant 0 : i32
      %dma_start3A_288 = tpu.memref_slice %arg6[%dma_start3A_285, %dma_start3A_286, %dma_start3A_287] : memref<2x512x8xf32, #tpu.memory_space<vmem>> -> memref<1x128x8xf32, #tpu.memory_space<vmem>>
      %dma_start3A_289 = tpu.memref_squeeze %dma_start3A_288 : memref<1x128x8xf32, #tpu.memory_space<vmem>> -> memref<128x8xf32, #tpu.memory_space<vmem>>
      %dma_start3A_290 = tpu.memref_slice %arg5[%mul3A_284] : memref<16384xi32, #tpu.memory_space<vmem>> -> memref<128xi32, #tpu.memory_space<vmem>>
      %dma_start3A_291 = arith.constant 0 : i32
      %dma_start3A_292 = tpu.memref_slice %arg2[%mul3A_20, %dma_start3A_291] : memref<32768x8xf32, #tpu.memory_space<hbm>> -> memref<16384x8xf32, #tpu.memory_space<hbm>>
      %dma_start3A_293 = arith.constant 0 : i32
      %dma_start3A_294 = arith.constant 0 : i32
      %dma_start3A_295 = tpu.memref_slice %dma_start3A_292[%dma_start3A_293, %dma_start3A_294] : memref<16384x8xf32, #tpu.memory_space<hbm>> -> memref<16384x8xf32, #tpu.memory_space<hbm>>
      tpu.enqueue_indirect_dma source(%dma_start3A_295 : memref<16384x8xf32, #tpu.memory_space<hbm>>) target(%dma_start3A_289 : memref<128x8xf32, #tpu.memory_space<vmem>>) offsets(%dma_start3A_290 : memref<128xi32, #tpu.memory_space<vmem>>) semaphore(%arg8 : memref<!tpu.dma_semaphore, #tpu.memory_space<semaphore_mem>>)
      %mul3A_296 = arith.constant 4 : i32
      %mul3A_297 = arith.muli %mul3A_225, %mul3A_296 : i32
      %add3A_298 = arith.constant 0 : i32
      %add3A_299 = arith.addi %mul3A_297, %add3A_298 : i32
      %mul3A_300 = arith.constant 128 : i32
      %mul3A_301 = arith.muli %add3A_299, %mul3A_300 : i32
      %dma_wait3A_302 = arith.constant 0 : i32
      %dma_wait3A_303 = arith.constant 0 : i32
      %dma_wait3A_304 = arith.constant 0 : i32
      %dma_wait3A_305 = tpu.memref_slice %arg6[%dma_wait3A_302, %dma_wait3A_303, %dma_wait3A_304] : memref<2x512x8xf32, #tpu.memory_space<vmem>> -> memref<1x128x8xf32, #tpu.memory_space<vmem>>
      %dma_wait3A_306 = tpu.memref_squeeze %dma_wait3A_305 : memref<1x128x8xf32, #tpu.memory_space<vmem>> -> memref<128x8xf32, #tpu.memory_space<vmem>>
      %dma_wait3A_307 = tpu.memref_slice %arg5[%mul3A_301] : memref<16384xi32, #tpu.memory_space<vmem>> -> memref<128xi32, #tpu.memory_space<vmem>>
      %dma_wait3A_308 = arith.constant 0 : i32
      %dma_wait3A_309 = tpu.memref_slice %arg2[%mul3A_20, %dma_wait3A_308] : memref<32768x8xf32, #tpu.memory_space<hbm>> -> memref<16384x8xf32, #tpu.memory_space<hbm>>
      %dma_wait3A_310 = arith.constant 0 : i32
      %dma_wait3A_311 = arith.constant 0 : i32
      %dma_wait3A_312 = tpu.memref_slice %dma_wait3A_309[%dma_wait3A_310, %dma_wait3A_311] : memref<16384x8xf32, #tpu.memory_space<hbm>> -> memref<16384x8xf32, #tpu.memory_space<hbm>>
      tpu.wait_indirect_dma semaphore(%arg7 : memref<!tpu.dma_semaphore, #tpu.memory_space<semaphore_mem>>) src(%dma_wait3A_312 : memref<16384x8xf32, #tpu.memory_space<hbm>>) dst(%dma_wait3A_306 : memref<128x8xf32, #tpu.memory_space<vmem>>)
      %mul3A_313 = arith.constant 4 : i32
      %mul3A_314 = arith.muli %mul3A_225, %mul3A_313 : i32
      %add3A_315 = arith.constant 1 : i32
      %add3A_316 = arith.addi %mul3A_314, %add3A_315 : i32
      %mul3A_317 = arith.constant 128 : i32
      %mul3A_318 = arith.muli %add3A_316, %mul3A_317 : i32
      %dma_wait3A_319 = arith.constant 0 : i32
      %dma_wait3A_320 = arith.constant 128 : i32
      %dma_wait3A_321 = arith.constant 0 : i32
      %dma_wait3A_322 = tpu.memref_slice %arg6[%dma_wait3A_319, %dma_wait3A_320, %dma_wait3A_321] : memref<2x512x8xf32, #tpu.memory_space<vmem>> -> memref<1x128x8xf32, #tpu.memory_space<vmem>>
      %dma_wait3A_323 = tpu.memref_squeeze %dma_wait3A_322 : memref<1x128x8xf32, #tpu.memory_space<vmem>> -> memref<128x8xf32, #tpu.memory_space<vmem>>
      %dma_wait3A_324 = tpu.memref_slice %arg5[%mul3A_318] : memref<16384xi32, #tpu.memory_space<vmem>> -> memref<128xi32, #tpu.memory_space<vmem>>
      %dma_wait3A_325 = arith.constant 0 : i32
      %dma_wait3A_326 = tpu.memref_slice %arg2[%mul3A_20, %dma_wait3A_325] : memref<32768x8xf32, #tpu.memory_space<hbm>> -> memref<16384x8xf32, #tpu.memory_space<hbm>>
      %dma_wait3A_327 = arith.constant 0 : i32
      %dma_wait3A_328 = arith.constant 0 : i32
      %dma_wait3A_329 = tpu.memref_slice %dma_wait3A_326[%dma_wait3A_327, %dma_wait3A_328] : memref<16384x8xf32, #tpu.memory_space<hbm>> -> memref<16384x8xf32, #tpu.memory_space<hbm>>
      tpu.wait_indirect_dma semaphore(%arg7 : memref<!tpu.dma_semaphore, #tpu.memory_space<semaphore_mem>>) src(%dma_wait3A_329 : memref<16384x8xf32, #tpu.memory_space<hbm>>) dst(%dma_wait3A_323 : memref<128x8xf32, #tpu.memory_space<vmem>>)
      %mul3A_330 = arith.constant 4 : i32
      %mul3A_331 = arith.muli %mul3A_225, %mul3A_330 : i32
      %add3A_332 = arith.constant 2 : i32
      %add3A_333 = arith.addi %mul3A_331, %add3A_332 : i32
      %mul3A_334 = arith.constant 128 : i32
      %mul3A_335 = arith.muli %add3A_333, %mul3A_334 : i32
      %dma_wait3A_336 = arith.constant 0 : i32
      %dma_wait3A_337 = arith.constant 256 : i32
      %dma_wait3A_338 = arith.constant 0 : i32
      %dma_wait3A_339 = tpu.memref_slice %arg6[%dma_wait3A_336, %dma_wait3A_337, %dma_wait3A_338] : memref<2x512x8xf32, #tpu.memory_space<vmem>> -> memref<1x128x8xf32, #tpu.memory_space<vmem>>
      %dma_wait3A_340 = tpu.memref_squeeze %dma_wait3A_339 : memref<1x128x8xf32, #tpu.memory_space<vmem>> -> memref<128x8xf32, #tpu.memory_space<vmem>>
      %dma_wait3A_341 = tpu.memref_slice %arg5[%mul3A_335] : memref<16384xi32, #tpu.memory_space<vmem>> -> memref<128xi32, #tpu.memory_space<vmem>>
      %dma_wait3A_342 = arith.constant 0 : i32
      %dma_wait3A_343 = tpu.memref_slice %arg2[%mul3A_20, %dma_wait3A_342] : memref<32768x8xf32, #tpu.memory_space<hbm>> -> memref<16384x8xf32, #tpu.memory_space<hbm>>
      %dma_wait3A_344 = arith.constant 0 : i32
      %dma_wait3A_345 = arith.constant 0 : i32
      %dma_wait3A_346 = tpu.memref_slice %dma_wait3A_343[%dma_wait3A_344, %dma_wait3A_345] : memref<16384x8xf32, #tpu.memory_space<hbm>> -> memref<16384x8xf32, #tpu.memory_space<hbm>>
      tpu.wait_indirect_dma semaphore(%arg7 : memref<!tpu.dma_semaphore, #tpu.memory_space<semaphore_mem>>) src(%dma_wait3A_346 : memref<16384x8xf32, #tpu.memory_space<hbm>>) dst(%dma_wait3A_340 : memref<128x8xf32, #tpu.memory_space<vmem>>)
      %mul3A_347 = arith.constant 4 : i32
      %mul3A_348 = arith.muli %mul3A_225, %mul3A_347 : i32
      %add3A_349 = arith.constant 3 : i32
      %add3A_350 = arith.addi %mul3A_348, %add3A_349 : i32
      %mul3A_351 = arith.constant 128 : i32
      %mul3A_352 = arith.muli %add3A_350, %mul3A_351 : i32
      %dma_wait3A_353 = arith.constant 0 : i32
      %dma_wait3A_354 = arith.constant 384 : i32
      %dma_wait3A_355 = arith.constant 0 : i32
      %dma_wait3A_356 = tpu.memref_slice %arg6[%dma_wait3A_353, %dma_wait3A_354, %dma_wait3A_355] : memref<2x512x8xf32, #tpu.memory_space<vmem>> -> memref<1x128x8xf32, #tpu.memory_space<vmem>>
      %dma_wait3A_357 = tpu.memref_squeeze %dma_wait3A_356 : memref<1x128x8xf32, #tpu.memory_space<vmem>> -> memref<128x8xf32, #tpu.memory_space<vmem>>
      %dma_wait3A_358 = tpu.memref_slice %arg5[%mul3A_352] : memref<16384xi32, #tpu.memory_space<vmem>> -> memref<128xi32, #tpu.memory_space<vmem>>
      %dma_wait3A_359 = arith.constant 0 : i32
      %dma_wait3A_360 = tpu.memref_slice %arg2[%mul3A_20, %dma_wait3A_359] : memref<32768x8xf32, #tpu.memory_space<hbm>> -> memref<16384x8xf32, #tpu.memory_space<hbm>>
      %dma_wait3A_361 = arith.constant 0 : i32
      %dma_wait3A_362 = arith.constant 0 : i32
      %dma_wait3A_363 = tpu.memref_slice %dma_wait3A_360[%dma_wait3A_361, %dma_wait3A_362] : memref<16384x8xf32, #tpu.memory_space<hbm>> -> memref<16384x8xf32, #tpu.memory_space<hbm>>
      tpu.wait_indirect_dma semaphore(%arg7 : memref<!tpu.dma_semaphore, #tpu.memory_space<semaphore_mem>>) src(%dma_wait3A_363 : memref<16384x8xf32, #tpu.memory_space<hbm>>) dst(%dma_wait3A_357 : memref<128x8xf32, #tpu.memory_space<vmem>>)
      %mul3A_364 = arith.constant 4 : i32
      %mul3A_365 = arith.muli %mul3A_225, %mul3A_364 : i32
      %mul3A_366 = arith.constant 128 : i32
      %mul3A_367 = arith.muli %mul3A_365, %mul3A_366 : i32
      %add3A_368 = arith.addi %mul3A_2, %mul3A_367 : i32
      %run_scoped3A_369 = arith.constant 0 : i32
      "tpu.region"() ({
        %run_scoped3A_519 = tpu.sem_alloc : memref<!tpu.dma_semaphore, #tpu.memory_space<semaphore_mem>>
        %dma_start3A_520 = arith.constant 0 : i32
        %dma_start3A_521 = arith.constant 0 : i32
        %dma_start3A_522 = tpu.memref_slice %arg6[%run_scoped3A_369, %dma_start3A_520, %dma_start3A_521] : memref<2x512x8xf32, #tpu.memory_space<vmem>> -> memref<1x512x8xf32, #tpu.memory_space<vmem>>
        %dma_start3A_523 = tpu.memref_squeeze %dma_start3A_522 : memref<1x512x8xf32, #tpu.memory_space<vmem>> -> memref<512x8xf32, #tpu.memory_space<vmem>>
        %dma_start3A_524 = arith.constant 0 : i32
        %dma_start3A_525 = tpu.memref_slice %arg4[%add3A_368, %dma_start3A_524] : memref<524288x8xf32, #tpu.memory_space<hbm>> -> memref<512x8xf32, #tpu.memory_space<hbm>>
        %dma_start3A_526 = arith.constant 0 : i32
        %dma_start3A_527 = tpu.memref_slice %arg4[%add3A_368, %dma_start3A_526] : memref<524288x8xf32, #tpu.memory_space<hbm>> -> memref<512x8xf32, #tpu.memory_space<hbm>>
        %dma_start3A_528 = arith.constant 0 : i32
        %dma_start3A_529 = arith.constant 0 : i32
        %dma_start3A_530 = tpu.memref_slice %arg6[%run_scoped3A_369, %dma_start3A_528, %dma_start3A_529] : memref<2x512x8xf32, #tpu.memory_space<vmem>> -> memref<1x512x8xf32, #tpu.memory_space<vmem>>
        %dma_start3A_531 = tpu.memref_squeeze %dma_start3A_530 : memref<1x512x8xf32, #tpu.memory_space<vmem>> -> memref<512x8xf32, #tpu.memory_space<vmem>>
        tpu.enqueue_dma source(%dma_start3A_531 : memref<512x8xf32, #tpu.memory_space<vmem>>) target(%dma_start3A_527 : memref<512x8xf32, #tpu.memory_space<hbm>>) target_semaphore(%run_scoped3A_519 : memref<!tpu.dma_semaphore, #tpu.memory_space<semaphore_mem>>)
        %dma_wait3A_532 = arith.constant 0 : i32
        %dma_wait3A_533 = arith.constant 0 : i32
        %dma_wait3A_534 = tpu.memref_slice %arg6[%run_scoped3A_369, %dma_wait3A_532, %dma_wait3A_533] : memref<2x512x8xf32, #tpu.memory_space<vmem>> -> memref<1x512x8xf32, #tpu.memory_space<vmem>>
        %dma_wait3A_535 = tpu.memref_squeeze %dma_wait3A_534 : memref<1x512x8xf32, #tpu.memory_space<vmem>> -> memref<512x8xf32, #tpu.memory_space<vmem>>
        %dma_wait3A_536 = arith.constant 0 : i32
        %dma_wait3A_537 = tpu.memref_slice %arg4[%add3A_368, %dma_wait3A_536] : memref<524288x8xf32, #tpu.memory_space<hbm>> -> memref<512x8xf32, #tpu.memory_space<hbm>>
        %dma_wait3A_538 = arith.constant 0 : i32
        %dma_wait3A_539 = tpu.memref_slice %arg4[%add3A_368, %dma_wait3A_538] : memref<524288x8xf32, #tpu.memory_space<hbm>> -> memref<512x8xf32, #tpu.memory_space<hbm>>
        %dma_wait3A_540 = arith.constant 0 : i32
        %dma_wait3A_541 = arith.constant 0 : i32
        %dma_wait3A_542 = tpu.memref_slice %arg6[%run_scoped3A_369, %dma_wait3A_540, %dma_wait3A_541] : memref<2x512x8xf32, #tpu.memory_space<vmem>> -> memref<1x512x8xf32, #tpu.memory_space<vmem>>
        %dma_wait3A_543 = tpu.memref_squeeze %dma_wait3A_542 : memref<1x512x8xf32, #tpu.memory_space<vmem>> -> memref<512x8xf32, #tpu.memory_space<vmem>>
        tpu.wait_dma2 semaphore(%run_scoped3A_519 : memref<!tpu.dma_semaphore, #tpu.memory_space<semaphore_mem>>) src(%dma_wait3A_543 : memref<512x8xf32, #tpu.memory_space<vmem>>) dst(%dma_wait3A_539 : memref<512x8xf32, #tpu.memory_space<hbm>>)
        tpu.yield
      }) : () -> ()
      %add3A_370 = arith.constant 2 : i32
      %add3A_371 = arith.addi %mul3A_225, %add3A_370 : i32
      %mul3A_372 = arith.constant 4 : i32
      %mul3A_373 = arith.muli %add3A_371, %mul3A_372 : i32
      %add3A_374 = arith.constant 0 : i32
      %add3A_375 = arith.addi %mul3A_373, %add3A_374 : i32
      %mul3A_376 = arith.constant 128 : i32
      %mul3A_377 = arith.muli %add3A_375, %mul3A_376 : i32
      %dma_start3A_378 = arith.constant 0 : i32
      %dma_start3A_379 = arith.constant 0 : i32
      %dma_start3A_380 = arith.constant 0 : i32
      %dma_start3A_381 = tpu.memref_slice %arg6[%dma_start3A_378, %dma_start3A_379, %dma_start3A_380] : memref<2x512x8xf32, #tpu.memory_space<vmem>> -> memref<1x128x8xf32, #tpu.memory_space<vmem>>
      %dma_start3A_382 = tpu.memref_squeeze %dma_start3A_381 : memref<1x128x8xf32, #tpu.memory_space<vmem>> -> memref<128x8xf32, #tpu.memory_space<vmem>>
      %dma_start3A_383 = tpu.memref_slice %arg5[%mul3A_377] : memref<16384xi32, #tpu.memory_space<vmem>> -> memref<128xi32, #tpu.memory_space<vmem>>
      %dma_start3A_384 = arith.constant 0 : i32
      %dma_start3A_385 = tpu.memref_slice %arg2[%mul3A_20, %dma_start3A_384] : memref<32768x8xf32, #tpu.memory_space<hbm>> -> memref<16384x8xf32, #tpu.memory_space<hbm>>
      %dma_start3A_386 = arith.constant 0 : i32
      %dma_start3A_387 = arith.constant 0 : i32
      %dma_start3A_388 = tpu.memref_slice %dma_start3A_385[%dma_start3A_386, %dma_start3A_387] : memref<16384x8xf32, #tpu.memory_space<hbm>> -> memref<16384x8xf32, #tpu.memory_space<hbm>>
      tpu.enqueue_indirect_dma source(%dma_start3A_388 : memref<16384x8xf32, #tpu.memory_space<hbm>>) target(%dma_start3A_382 : memref<128x8xf32, #tpu.memory_space<vmem>>) offsets(%dma_start3A_383 : memref<128xi32, #tpu.memory_space<vmem>>) semaphore(%arg7 : memref<!tpu.dma_semaphore, #tpu.memory_space<semaphore_mem>>)
      %mul3A_389 = arith.constant 4 : i32
      %mul3A_390 = arith.muli %add3A_371, %mul3A_389 : i32
      %add3A_391 = arith.constant 1 : i32
      %add3A_392 = arith.addi %mul3A_390, %add3A_391 : i32
      %mul3A_393 = arith.constant 128 : i32
      %mul3A_394 = arith.muli %add3A_392, %mul3A_393 : i32
      %dma_start3A_395 = arith.constant 0 : i32
      %dma_start3A_396 = arith.constant 128 : i32
      %dma_start3A_397 = arith.constant 0 : i32
      %dma_start3A_398 = tpu.memref_slice %arg6[%dma_start3A_395, %dma_start3A_396, %dma_start3A_397] : memref<2x512x8xf32, #tpu.memory_space<vmem>> -> memref<1x128x8xf32, #tpu.memory_space<vmem>>
      %dma_start3A_399 = tpu.memref_squeeze %dma_start3A_398 : memref<1x128x8xf32, #tpu.memory_space<vmem>> -> memref<128x8xf32, #tpu.memory_space<vmem>>
      %dma_start3A_400 = tpu.memref_slice %arg5[%mul3A_394] : memref<16384xi32, #tpu.memory_space<vmem>> -> memref<128xi32, #tpu.memory_space<vmem>>
      %dma_start3A_401 = arith.constant 0 : i32
      %dma_start3A_402 = tpu.memref_slice %arg2[%mul3A_20, %dma_start3A_401] : memref<32768x8xf32, #tpu.memory_space<hbm>> -> memref<16384x8xf32, #tpu.memory_space<hbm>>
      %dma_start3A_403 = arith.constant 0 : i32
      %dma_start3A_404 = arith.constant 0 : i32
      %dma_start3A_405 = tpu.memref_slice %dma_start3A_402[%dma_start3A_403, %dma_start3A_404] : memref<16384x8xf32, #tpu.memory_space<hbm>> -> memref<16384x8xf32, #tpu.memory_space<hbm>>
      tpu.enqueue_indirect_dma source(%dma_start3A_405 : memref<16384x8xf32, #tpu.memory_space<hbm>>) target(%dma_start3A_399 : memref<128x8xf32, #tpu.memory_space<vmem>>) offsets(%dma_start3A_400 : memref<128xi32, #tpu.memory_space<vmem>>) semaphore(%arg7 : memref<!tpu.dma_semaphore, #tpu.memory_space<semaphore_mem>>)
      %mul3A_406 = arith.constant 4 : i32
      %mul3A_407 = arith.muli %add3A_371, %mul3A_406 : i32
      %add3A_408 = arith.constant 2 : i32
      %add3A_409 = arith.addi %mul3A_407, %add3A_408 : i32
      %mul3A_410 = arith.constant 128 : i32
      %mul3A_411 = arith.muli %add3A_409, %mul3A_410 : i32
      %dma_start3A_412 = arith.constant 0 : i32
      %dma_start3A_413 = arith.constant 256 : i32
      %dma_start3A_414 = arith.constant 0 : i32
      %dma_start3A_415 = tpu.memref_slice %arg6[%dma_start3A_412, %dma_start3A_413, %dma_start3A_414] : memref<2x512x8xf32, #tpu.memory_space<vmem>> -> memref<1x128x8xf32, #tpu.memory_space<vmem>>
      %dma_start3A_416 = tpu.memref_squeeze %dma_start3A_415 : memref<1x128x8xf32, #tpu.memory_space<vmem>> -> memref<128x8xf32, #tpu.memory_space<vmem>>
      %dma_start3A_417 = tpu.memref_slice %arg5[%mul3A_411] : memref<16384xi32, #tpu.memory_space<vmem>> -> memref<128xi32, #tpu.memory_space<vmem>>
      %dma_start3A_418 = arith.constant 0 : i32
      %dma_start3A_419 = tpu.memref_slice %arg2[%mul3A_20, %dma_start3A_418] : memref<32768x8xf32, #tpu.memory_space<hbm>> -> memref<16384x8xf32, #tpu.memory_space<hbm>>
      %dma_start3A_420 = arith.constant 0 : i32
      %dma_start3A_421 = arith.constant 0 : i32
      %dma_start3A_422 = tpu.memref_slice %dma_start3A_419[%dma_start3A_420, %dma_start3A_421] : memref<16384x8xf32, #tpu.memory_space<hbm>> -> memref<16384x8xf32, #tpu.memory_space<hbm>>
      tpu.enqueue_indirect_dma source(%dma_start3A_422 : memref<16384x8xf32, #tpu.memory_space<hbm>>) target(%dma_start3A_416 : memref<128x8xf32, #tpu.memory_space<vmem>>) offsets(%dma_start3A_417 : memref<128xi32, #tpu.memory_space<vmem>>) semaphore(%arg7 : memref<!tpu.dma_semaphore, #tpu.memory_space<semaphore_mem>>)
      %mul3A_423 = arith.constant 4 : i32
      %mul3A_424 = arith.muli %add3A_371, %mul3A_423 : i32
      %add3A_425 = arith.constant 3 : i32
      %add3A_426 = arith.addi %mul3A_424, %add3A_425 : i32
      %mul3A_427 = arith.constant 128 : i32
      %mul3A_428 = arith.muli %add3A_426, %mul3A_427 : i32
      %dma_start3A_429 = arith.constant 0 : i32
      %dma_start3A_430 = arith.constant 384 : i32
      %dma_start3A_431 = arith.constant 0 : i32
      %dma_start3A_432 = tpu.memref_slice %arg6[%dma_start3A_429, %dma_start3A_430, %dma_start3A_431] : memref<2x512x8xf32, #tpu.memory_space<vmem>> -> memref<1x128x8xf32, #tpu.memory_space<vmem>>
      %dma_start3A_433 = tpu.memref_squeeze %dma_start3A_432 : memref<1x128x8xf32, #tpu.memory_space<vmem>> -> memref<128x8xf32, #tpu.memory_space<vmem>>
      %dma_start3A_434 = tpu.memref_slice %arg5[%mul3A_428] : memref<16384xi32, #tpu.memory_space<vmem>> -> memref<128xi32, #tpu.memory_space<vmem>>
      %dma_start3A_435 = arith.constant 0 : i32
      %dma_start3A_436 = tpu.memref_slice %arg2[%mul3A_20, %dma_start3A_435] : memref<32768x8xf32, #tpu.memory_space<hbm>> -> memref<16384x8xf32, #tpu.memory_space<hbm>>
      %dma_start3A_437 = arith.constant 0 : i32
      %dma_start3A_438 = arith.constant 0 : i32
      %dma_start3A_439 = tpu.memref_slice %dma_start3A_436[%dma_start3A_437, %dma_start3A_438] : memref<16384x8xf32, #tpu.memory_space<hbm>> -> memref<16384x8xf32, #tpu.memory_space<hbm>>
      tpu.enqueue_indirect_dma source(%dma_start3A_439 : memref<16384x8xf32, #tpu.memory_space<hbm>>) target(%dma_start3A_433 : memref<128x8xf32, #tpu.memory_space<vmem>>) offsets(%dma_start3A_434 : memref<128xi32, #tpu.memory_space<vmem>>) semaphore(%arg7 : memref<!tpu.dma_semaphore, #tpu.memory_space<semaphore_mem>>)
      %add3A_440 = arith.constant 1 : i32
      %add3A_441 = arith.addi %mul3A_225, %add3A_440 : i32
      %mul3A_442 = arith.constant 4 : i32
      %mul3A_443 = arith.muli %add3A_441, %mul3A_442 : i32
      %add3A_444 = arith.constant 0 : i32
      %add3A_445 = arith.addi %mul3A_443, %add3A_444 : i32
      %mul3A_446 = arith.constant 128 : i32
      %mul3A_447 = arith.muli %add3A_445, %mul3A_446 : i32
      %dma_wait3A_448 = arith.constant 1 : i32
      %dma_wait3A_449 = arith.constant 0 : i32
      %dma_wait3A_450 = arith.constant 0 : i32
      %dma_wait3A_451 = tpu.memref_slice %arg6[%dma_wait3A_448, %dma_wait3A_449, %dma_wait3A_450] : memref<2x512x8xf32, #tpu.memory_space<vmem>> -> memref<1x128x8xf32, #tpu.memory_space<vmem>>
      %dma_wait3A_452 = tpu.memref_squeeze %dma_wait3A_451 : memref<1x128x8xf32, #tpu.memory_space<vmem>> -> memref<128x8xf32, #tpu.memory_space<vmem>>
      %dma_wait3A_453 = tpu.memref_slice %arg5[%mul3A_447] : memref<16384xi32, #tpu.memory_space<vmem>> -> memref<128xi32, #tpu.memory_space<vmem>>
      %dma_wait3A_454 = arith.constant 0 : i32
      %dma_wait3A_455 = tpu.memref_slice %arg2[%mul3A_20, %dma_wait3A_454] : memref<32768x8xf32, #tpu.memory_space<hbm>> -> memref<16384x8xf32, #tpu.memory_space<hbm>>
      %dma_wait3A_456 = arith.constant 0 : i32
      %dma_wait3A_457 = arith.constant 0 : i32
      %dma_wait3A_458 = tpu.memref_slice %dma_wait3A_455[%dma_wait3A_456, %dma_wait3A_457] : memref<16384x8xf32, #tpu.memory_space<hbm>> -> memref<16384x8xf32, #tpu.memory_space<hbm>>
      tpu.wait_indirect_dma semaphore(%arg8 : memref<!tpu.dma_semaphore, #tpu.memory_space<semaphore_mem>>) src(%dma_wait3A_458 : memref<16384x8xf32, #tpu.memory_space<hbm>>) dst(%dma_wait3A_452 : memref<128x8xf32, #tpu.memory_space<vmem>>)
      %mul3A_459 = arith.constant 4 : i32
      %mul3A_460 = arith.muli %add3A_441, %mul3A_459 : i32
      %add3A_461 = arith.constant 1 : i32
      %add3A_462 = arith.addi %mul3A_460, %add3A_461 : i32
      %mul3A_463 = arith.constant 128 : i32
      %mul3A_464 = arith.muli %add3A_462, %mul3A_463 : i32
      %dma_wait3A_465 = arith.constant 1 : i32
      %dma_wait3A_466 = arith.constant 128 : i32
      %dma_wait3A_467 = arith.constant 0 : i32
      %dma_wait3A_468 = tpu.memref_slice %arg6[%dma_wait3A_465, %dma_wait3A_466, %dma_wait3A_467] : memref<2x512x8xf32, #tpu.memory_space<vmem>> -> memref<1x128x8xf32, #tpu.memory_space<vmem>>
      %dma_wait3A_469 = tpu.memref_squeeze %dma_wait3A_468 : memref<1x128x8xf32, #tpu.memory_space<vmem>> -> memref<128x8xf32, #tpu.memory_space<vmem>>
      %dma_wait3A_470 = tpu.memref_slice %arg5[%mul3A_464] : memref<16384xi32, #tpu.memory_space<vmem>> -> memref<128xi32, #tpu.memory_space<vmem>>
      %dma_wait3A_471 = arith.constant 0 : i32
      %dma_wait3A_472 = tpu.memref_slice %arg2[%mul3A_20, %dma_wait3A_471] : memref<32768x8xf32, #tpu.memory_space<hbm>> -> memref<16384x8xf32, #tpu.memory_space<hbm>>
      %dma_wait3A_473 = arith.constant 0 : i32
      %dma_wait3A_474 = arith.constant 0 : i32
      %dma_wait3A_475 = tpu.memref_slice %dma_wait3A_472[%dma_wait3A_473, %dma_wait3A_474] : memref<16384x8xf32, #tpu.memory_space<hbm>> -> memref<16384x8xf32, #tpu.memory_space<hbm>>
      tpu.wait_indirect_dma semaphore(%arg8 : memref<!tpu.dma_semaphore, #tpu.memory_space<semaphore_mem>>) src(%dma_wait3A_475 : memref<16384x8xf32, #tpu.memory_space<hbm>>) dst(%dma_wait3A_469 : memref<128x8xf32, #tpu.memory_space<vmem>>)
      %mul3A_476 = arith.constant 4 : i32
      %mul3A_477 = arith.muli %add3A_441, %mul3A_476 : i32
      %add3A_478 = arith.constant 2 : i32
      %add3A_479 = arith.addi %mul3A_477, %add3A_478 : i32
      %mul3A_480 = arith.constant 128 : i32
      %mul3A_481 = arith.muli %add3A_479, %mul3A_480 : i32
      %dma_wait3A_482 = arith.constant 1 : i32
      %dma_wait3A_483 = arith.constant 256 : i32
      %dma_wait3A_484 = arith.constant 0 : i32
      %dma_wait3A_485 = tpu.memref_slice %arg6[%dma_wait3A_482, %dma_wait3A_483, %dma_wait3A_484] : memref<2x512x8xf32, #tpu.memory_space<vmem>> -> memref<1x128x8xf32, #tpu.memory_space<vmem>>
      %dma_wait3A_486 = tpu.memref_squeeze %dma_wait3A_485 : memref<1x128x8xf32, #tpu.memory_space<vmem>> -> memref<128x8xf32, #tpu.memory_space<vmem>>
      %dma_wait3A_487 = tpu.memref_slice %arg5[%mul3A_481] : memref<16384xi32, #tpu.memory_space<vmem>> -> memref<128xi32, #tpu.memory_space<vmem>>
      %dma_wait3A_488 = arith.constant 0 : i32
      %dma_wait3A_489 = tpu.memref_slice %arg2[%mul3A_20, %dma_wait3A_488] : memref<32768x8xf32, #tpu.memory_space<hbm>> -> memref<16384x8xf32, #tpu.memory_space<hbm>>
      %dma_wait3A_490 = arith.constant 0 : i32
      %dma_wait3A_491 = arith.constant 0 : i32
      %dma_wait3A_492 = tpu.memref_slice %dma_wait3A_489[%dma_wait3A_490, %dma_wait3A_491] : memref<16384x8xf32, #tpu.memory_space<hbm>> -> memref<16384x8xf32, #tpu.memory_space<hbm>>
      tpu.wait_indirect_dma semaphore(%arg8 : memref<!tpu.dma_semaphore, #tpu.memory_space<semaphore_mem>>) src(%dma_wait3A_492 : memref<16384x8xf32, #tpu.memory_space<hbm>>) dst(%dma_wait3A_486 : memref<128x8xf32, #tpu.memory_space<vmem>>)
      %mul3A_493 = arith.constant 4 : i32
      %mul3A_494 = arith.muli %add3A_441, %mul3A_493 : i32
      %add3A_495 = arith.constant 3 : i32
      %add3A_496 = arith.addi %mul3A_494, %add3A_495 : i32
      %mul3A_497 = arith.constant 128 : i32
      %mul3A_498 = arith.muli %add3A_496, %mul3A_497 : i32
      %dma_wait3A_499 = arith.constant 1 : i32
      %dma_wait3A_500 = arith.constant 384 : i32
      %dma_wait3A_501 = arith.constant 0 : i32
      %dma_wait3A_502 = tpu.memref_slice %arg6[%dma_wait3A_499, %dma_wait3A_500, %dma_wait3A_501] : memref<2x512x8xf32, #tpu.memory_space<vmem>> -> memref<1x128x8xf32, #tpu.memory_space<vmem>>
      %dma_wait3A_503 = tpu.memref_squeeze %dma_wait3A_502 : memref<1x128x8xf32, #tpu.memory_space<vmem>> -> memref<128x8xf32, #tpu.memory_space<vmem>>
      %dma_wait3A_504 = tpu.memref_slice %arg5[%mul3A_498] : memref<16384xi32, #tpu.memory_space<vmem>> -> memref<128xi32, #tpu.memory_space<vmem>>
      %dma_wait3A_505 = arith.constant 0 : i32
      %dma_wait3A_506 = tpu.memref_slice %arg2[%mul3A_20, %dma_wait3A_505] : memref<32768x8xf32, #tpu.memory_space<hbm>> -> memref<16384x8xf32, #tpu.memory_space<hbm>>
      %dma_wait3A_507 = arith.constant 0 : i32
      %dma_wait3A_508 = arith.constant 0 : i32
      %dma_wait3A_509 = tpu.memref_slice %dma_wait3A_506[%dma_wait3A_507, %dma_wait3A_508] : memref<16384x8xf32, #tpu.memory_space<hbm>> -> memref<16384x8xf32, #tpu.memory_space<hbm>>
      tpu.wait_indirect_dma semaphore(%arg8 : memref<!tpu.dma_semaphore, #tpu.memory_space<semaphore_mem>>) src(%dma_wait3A_509 : memref<16384x8xf32, #tpu.memory_space<hbm>>) dst(%dma_wait3A_503 : memref<128x8xf32, #tpu.memory_space<vmem>>)
      %add3A_510 = arith.constant 1 : i32
      %add3A_511 = arith.addi %mul3A_225, %add3A_510 : i32
      %mul3A_512 = arith.constant 4 : i32
      %mul3A_513 = arith.muli %add3A_511, %mul3A_512 : i32
      %mul3A_514 = arith.constant 128 : i32
      %mul3A_515 = arith.muli %mul3A_513, %mul3A_514 : i32
      %add3A_516 = arith.addi %mul3A_2, %mul3A_515 : i32
      %run_scoped3A_517 = arith.constant 1 : i32
      "tpu.region"() ({
        %run_scoped3A_519 = tpu.sem_alloc : memref<!tpu.dma_semaphore, #tpu.memory_space<semaphore_mem>>
        %dma_start3A_520 = arith.constant 0 : i32
        %dma_start3A_521 = arith.constant 0 : i32
        %dma_start3A_522 = tpu.memref_slice %arg6[%run_scoped3A_517, %dma_start3A_520, %dma_start3A_521] : memref<2x512x8xf32, #tpu.memory_space<vmem>> -> memref<1x512x8xf32, #tpu.memory_space<vmem>>
        %dma_start3A_523 = tpu.memref_squeeze %dma_start3A_522 : memref<1x512x8xf32, #tpu.memory_space<vmem>> -> memref<512x8xf32, #tpu.memory_space<vmem>>
        %dma_start3A_524 = arith.constant 0 : i32
        %dma_start3A_525 = tpu.memref_slice %arg4[%add3A_516, %dma_start3A_524] : memref<524288x8xf32, #tpu.memory_space<hbm>> -> memref<512x8xf32, #tpu.memory_space<hbm>>
        %dma_start3A_526 = arith.constant 0 : i32
        %dma_start3A_527 = tpu.memref_slice %arg4[%add3A_516, %dma_start3A_526] : memref<524288x8xf32, #tpu.memory_space<hbm>> -> memref<512x8xf32, #tpu.memory_space<hbm>>
        %dma_start3A_528 = arith.constant 0 : i32
        %dma_start3A_529 = arith.constant 0 : i32
        %dma_start3A_530 = tpu.memref_slice %arg6[%run_scoped3A_517, %dma_start3A_528, %dma_start3A_529] : memref<2x512x8xf32, #tpu.memory_space<vmem>> -> memref<1x512x8xf32, #tpu.memory_space<vmem>>
        %dma_start3A_531 = tpu.memref_squeeze %dma_start3A_530 : memref<1x512x8xf32, #tpu.memory_space<vmem>> -> memref<512x8xf32, #tpu.memory_space<vmem>>
        tpu.enqueue_dma source(%dma_start3A_531 : memref<512x8xf32, #tpu.memory_space<vmem>>) target(%dma_start3A_527 : memref<512x8xf32, #tpu.memory_space<hbm>>) target_semaphore(%run_scoped3A_519 : memref<!tpu.dma_semaphore, #tpu.memory_space<semaphore_mem>>)
        %dma_wait3A_532 = arith.constant 0 : i32
        %dma_wait3A_533 = arith.constant 0 : i32
        %dma_wait3A_534 = tpu.memref_slice %arg6[%run_scoped3A_517, %dma_wait3A_532, %dma_wait3A_533] : memref<2x512x8xf32, #tpu.memory_space<vmem>> -> memref<1x512x8xf32, #tpu.memory_space<vmem>>
        %dma_wait3A_535 = tpu.memref_squeeze %dma_wait3A_534 : memref<1x512x8xf32, #tpu.memory_space<vmem>> -> memref<512x8xf32, #tpu.memory_space<vmem>>
        %dma_wait3A_536 = arith.constant 0 : i32
        %dma_wait3A_537 = tpu.memref_slice %arg4[%add3A_516, %dma_wait3A_536] : memref<524288x8xf32, #tpu.memory_space<hbm>> -> memref<512x8xf32, #tpu.memory_space<hbm>>
        %dma_wait3A_538 = arith.constant 0 : i32
        %dma_wait3A_539 = tpu.memref_slice %arg4[%add3A_516, %dma_wait3A_538] : memref<524288x8xf32, #tpu.memory_space<hbm>> -> memref<512x8xf32, #tpu.memory_space<hbm>>
        %dma_wait3A_540 = arith.constant 0 : i32
        %dma_wait3A_541 = arith.constant 0 : i32
        %dma_wait3A_542 = tpu.memref_slice %arg6[%run_scoped3A_517, %dma_wait3A_540, %dma_wait3A_541] : memref<2x512x8xf32, #tpu.memory_space<vmem>> -> memref<1x512x8xf32, #tpu.memory_space<vmem>>
        %dma_wait3A_543 = tpu.memref_squeeze %dma_wait3A_542 : memref<1x512x8xf32, #tpu.memory_space<vmem>> -> memref<512x8xf32, #tpu.memory_space<vmem>>
        tpu.wait_dma2 semaphore(%run_scoped3A_519 : memref<!tpu.dma_semaphore, #tpu.memory_space<semaphore_mem>>) src(%dma_wait3A_543 : memref<512x8xf32, #tpu.memory_space<vmem>>) dst(%dma_wait3A_539 : memref<512x8xf32, #tpu.memory_space<hbm>>)
        tpu.yield
      }) : () -> ()
      %scan3A_518 = arith.constant 0 : i32
      scf.yield %scan3A_518 : i32
    }
    %scan3A_73 = arith.constant 15 : i32
    %dma_start3A_74 = arith.constant 1 : i32
    %dma_start3A_75 = arith.constant 0 : i32
    %dma_start3A_76 = arith.constant 0 : i32
    %dma_start3A_77 = tpu.memref_slice %arg6[%dma_start3A_74, %dma_start3A_75, %dma_start3A_76] : memref<2x512x8xf32, #tpu.memory_space<vmem>> -> memref<1x128x8xf32, #tpu.memory_space<vmem>>
    %dma_start3A_78 = tpu.memref_squeeze %dma_start3A_77 : memref<1x128x8xf32, #tpu.memory_space<vmem>> -> memref<128x8xf32, #tpu.memory_space<vmem>>
    %dma_start3A_79 = arith.constant 15872 : i32
    %dma_start3A_80 = tpu.memref_slice %arg5[%dma_start3A_79] : memref<16384xi32, #tpu.memory_space<vmem>> -> memref<128xi32, #tpu.memory_space<vmem>>
    %dma_start3A_81 = arith.constant 0 : i32
    %dma_start3A_82 = tpu.memref_slice %arg2[%mul3A_20, %dma_start3A_81] : memref<32768x8xf32, #tpu.memory_space<hbm>> -> memref<16384x8xf32, #tpu.memory_space<hbm>>
    %dma_start3A_83 = arith.constant 0 : i32
    %dma_start3A_84 = arith.constant 0 : i32
    %dma_start3A_85 = tpu.memref_slice %dma_start3A_82[%dma_start3A_83, %dma_start3A_84] : memref<16384x8xf32, #tpu.memory_space<hbm>> -> memref<16384x8xf32, #tpu.memory_space<hbm>>
    tpu.enqueue_indirect_dma source(%dma_start3A_85 : memref<16384x8xf32, #tpu.memory_space<hbm>>) target(%dma_start3A_78 : memref<128x8xf32, #tpu.memory_space<vmem>>) offsets(%dma_start3A_80 : memref<128xi32, #tpu.memory_space<vmem>>) semaphore(%arg8 : memref<!tpu.dma_semaphore, #tpu.memory_space<semaphore_mem>>)
    %dma_start3A_86 = arith.constant 1 : i32
    %dma_start3A_87 = arith.constant 128 : i32
    %dma_start3A_88 = arith.constant 0 : i32
    %dma_start3A_89 = tpu.memref_slice %arg6[%dma_start3A_86, %dma_start3A_87, %dma_start3A_88] : memref<2x512x8xf32, #tpu.memory_space<vmem>> -> memref<1x128x8xf32, #tpu.memory_space<vmem>>
    %dma_start3A_90 = tpu.memref_squeeze %dma_start3A_89 : memref<1x128x8xf32, #tpu.memory_space<vmem>> -> memref<128x8xf32, #tpu.memory_space<vmem>>
    %dma_start3A_91 = arith.constant 16000 : i32
    %dma_start3A_92 = tpu.memref_slice %arg5[%dma_start3A_91] : memref<16384xi32, #tpu.memory_space<vmem>> -> memref<128xi32, #tpu.memory_space<vmem>>
    %dma_start3A_93 = arith.constant 0 : i32
    %dma_start3A_94 = tpu.memref_slice %arg2[%mul3A_20, %dma_start3A_93] : memref<32768x8xf32, #tpu.memory_space<hbm>> -> memref<16384x8xf32, #tpu.memory_space<hbm>>
    %dma_start3A_95 = arith.constant 0 : i32
    %dma_start3A_96 = arith.constant 0 : i32
    %dma_start3A_97 = tpu.memref_slice %dma_start3A_94[%dma_start3A_95, %dma_start3A_96] : memref<16384x8xf32, #tpu.memory_space<hbm>> -> memref<16384x8xf32, #tpu.memory_space<hbm>>
    tpu.enqueue_indirect_dma source(%dma_start3A_97 : memref<16384x8xf32, #tpu.memory_space<hbm>>) target(%dma_start3A_90 : memref<128x8xf32, #tpu.memory_space<vmem>>) offsets(%dma_start3A_92 : memref<128xi32, #tpu.memory_space<vmem>>) semaphore(%arg8 : memref<!tpu.dma_semaphore, #tpu.memory_space<semaphore_mem>>)
    %dma_start3A_98 = arith.constant 1 : i32
    %dma_start3A_99 = arith.constant 256 : i32
    %dma_start3A_100 = arith.constant 0 : i32
    %dma_start3A_101 = tpu.memref_slice %arg6[%dma_start3A_98, %dma_start3A_99, %dma_start3A_100] : memref<2x512x8xf32, #tpu.memory_space<vmem>> -> memref<1x128x8xf32, #tpu.memory_space<vmem>>
    %dma_start3A_102 = tpu.memref_squeeze %dma_start3A_101 : memref<1x128x8xf32, #tpu.memory_space<vmem>> -> memref<128x8xf32, #tpu.memory_space<vmem>>
    %dma_start3A_103 = arith.constant 16128 : i32
    %dma_start3A_104 = tpu.memref_slice %arg5[%dma_start3A_103] : memref<16384xi32, #tpu.memory_space<vmem>> -> memref<128xi32, #tpu.memory_space<vmem>>
    %dma_start3A_105 = arith.constant 0 : i32
    %dma_start3A_106 = tpu.memref_slice %arg2[%mul3A_20, %dma_start3A_105] : memref<32768x8xf32, #tpu.memory_space<hbm>> -> memref<16384x8xf32, #tpu.memory_space<hbm>>
    %dma_start3A_107 = arith.constant 0 : i32
    %dma_start3A_108 = arith.constant 0 : i32
    %dma_start3A_109 = tpu.memref_slice %dma_start3A_106[%dma_start3A_107, %dma_start3A_108] : memref<16384x8xf32, #tpu.memory_space<hbm>> -> memref<16384x8xf32, #tpu.memory_space<hbm>>
    tpu.enqueue_indirect_dma source(%dma_start3A_109 : memref<16384x8xf32, #tpu.memory_space<hbm>>) target(%dma_start3A_102 : memref<128x8xf32, #tpu.memory_space<vmem>>) offsets(%dma_start3A_104 : memref<128xi32, #tpu.memory_space<vmem>>) semaphore(%arg8 : memref<!tpu.dma_semaphore, #tpu.memory_space<semaphore_mem>>)
    %dma_start3A_110 = arith.constant 1 : i32
    %dma_start3A_111 = arith.constant 384 : i32
    %dma_start3A_112 = arith.constant 0 : i32
    %dma_start3A_113 = tpu.memref_slice %arg6[%dma_start3A_110, %dma_start3A_111, %dma_start3A_112] : memref<2x512x8xf32, #tpu.memory_space<vmem>> -> memref<1x128x8xf32, #tpu.memory_space<vmem>>
    %dma_start3A_114 = tpu.memref_squeeze %dma_start3A_113 : memref<1x128x8xf32, #tpu.memory_space<vmem>> -> memref<128x8xf32, #tpu.memory_space<vmem>>
    %dma_start3A_115 = arith.constant 16256 : i32
    %dma_start3A_116 = tpu.memref_slice %arg5[%dma_start3A_115] : memref<16384xi32, #tpu.memory_space<vmem>> -> memref<128xi32, #tpu.memory_space<vmem>>
    %dma_start3A_117 = arith.constant 0 : i32
    %dma_start3A_118 = tpu.memref_slice %arg2[%mul3A_20, %dma_start3A_117] : memref<32768x8xf32, #tpu.memory_space<hbm>> -> memref<16384x8xf32, #tpu.memory_space<hbm>>
    %dma_start3A_119 = arith.constant 0 : i32
    %dma_start3A_120 = arith.constant 0 : i32
    %dma_start3A_121 = tpu.memref_slice %dma_start3A_118[%dma_start3A_119, %dma_start3A_120] : memref<16384x8xf32, #tpu.memory_space<hbm>> -> memref<16384x8xf32, #tpu.memory_space<hbm>>
    tpu.enqueue_indirect_dma source(%dma_start3A_121 : memref<16384x8xf32, #tpu.memory_space<hbm>>) target(%dma_start3A_114 : memref<128x8xf32, #tpu.memory_space<vmem>>) offsets(%dma_start3A_116 : memref<128xi32, #tpu.memory_space<vmem>>) semaphore(%arg8 : memref<!tpu.dma_semaphore, #tpu.memory_space<semaphore_mem>>)
    %dma_wait3A = arith.constant 0 : i32
    %dma_wait3A_122 = arith.constant 0 : i32
    %dma_wait3A_123 = arith.constant 0 : i32
    %dma_wait3A_124 = tpu.memref_slice %arg6[%dma_wait3A, %dma_wait3A_122, %dma_wait3A_123] : memref<2x512x8xf32, #tpu.memory_space<vmem>> -> memref<1x128x8xf32, #tpu.memory_space<vmem>>
    %dma_wait3A_125 = tpu.memref_squeeze %dma_wait3A_124 : memref<1x128x8xf32, #tpu.memory_space<vmem>> -> memref<128x8xf32, #tpu.memory_space<vmem>>
    %dma_wait3A_126 = arith.constant 15360 : i32
    %dma_wait3A_127 = tpu.memref_slice %arg5[%dma_wait3A_126] : memref<16384xi32, #tpu.memory_space<vmem>> -> memref<128xi32, #tpu.memory_space<vmem>>
    %dma_wait3A_128 = arith.constant 0 : i32
    %dma_wait3A_129 = tpu.memref_slice %arg2[%mul3A_20, %dma_wait3A_128] : memref<32768x8xf32, #tpu.memory_space<hbm>> -> memref<16384x8xf32, #tpu.memory_space<hbm>>
    %dma_wait3A_130 = arith.constant 0 : i32
    %dma_wait3A_131 = arith.constant 0 : i32
    %dma_wait3A_132 = tpu.memref_slice %dma_wait3A_129[%dma_wait3A_130, %dma_wait3A_131] : memref<16384x8xf32, #tpu.memory_space<hbm>> -> memref<16384x8xf32, #tpu.memory_space<hbm>>
    tpu.wait_indirect_dma semaphore(%arg7 : memref<!tpu.dma_semaphore, #tpu.memory_space<semaphore_mem>>) src(%dma_wait3A_132 : memref<16384x8xf32, #tpu.memory_space<hbm>>) dst(%dma_wait3A_125 : memref<128x8xf32, #tpu.memory_space<vmem>>)
    %dma_wait3A_133 = arith.constant 0 : i32
    %dma_wait3A_134 = arith.constant 128 : i32
    %dma_wait3A_135 = arith.constant 0 : i32
    %dma_wait3A_136 = tpu.memref_slice %arg6[%dma_wait3A_133, %dma_wait3A_134, %dma_wait3A_135] : memref<2x512x8xf32, #tpu.memory_space<vmem>> -> memref<1x128x8xf32, #tpu.memory_space<vmem>>
    %dma_wait3A_137 = tpu.memref_squeeze %dma_wait3A_136 : memref<1x128x8xf32, #tpu.memory_space<vmem>> -> memref<128x8xf32, #tpu.memory_space<vmem>>
    %dma_wait3A_138 = arith.constant 15488 : i32
    %dma_wait3A_139 = tpu.memref_slice %arg5[%dma_wait3A_138] : memref<16384xi32, #tpu.memory_space<vmem>> -> memref<128xi32, #tpu.memory_space<vmem>>
    %dma_wait3A_140 = arith.constant 0 : i32
    %dma_wait3A_141 = tpu.memref_slice %arg2[%mul3A_20, %dma_wait3A_140] : memref<32768x8xf32, #tpu.memory_space<hbm>> -> memref<16384x8xf32, #tpu.memory_space<hbm>>
    %dma_wait3A_142 = arith.constant 0 : i32
    %dma_wait3A_143 = arith.constant 0 : i32
    %dma_wait3A_144 = tpu.memref_slice %dma_wait3A_141[%dma_wait3A_142, %dma_wait3A_143] : memref<16384x8xf32, #tpu.memory_space<hbm>> -> memref<16384x8xf32, #tpu.memory_space<hbm>>
    tpu.wait_indirect_dma semaphore(%arg7 : memref<!tpu.dma_semaphore, #tpu.memory_space<semaphore_mem>>) src(%dma_wait3A_144 : memref<16384x8xf32, #tpu.memory_space<hbm>>) dst(%dma_wait3A_137 : memref<128x8xf32, #tpu.memory_space<vmem>>)
    %dma_wait3A_145 = arith.constant 0 : i32
    %dma_wait3A_146 = arith.constant 256 : i32
    %dma_wait3A_147 = arith.constant 0 : i32
    %dma_wait3A_148 = tpu.memref_slice %arg6[%dma_wait3A_145, %dma_wait3A_146, %dma_wait3A_147] : memref<2x512x8xf32, #tpu.memory_space<vmem>> -> memref<1x128x8xf32, #tpu.memory_space<vmem>>
    %dma_wait3A_149 = tpu.memref_squeeze %dma_wait3A_148 : memref<1x128x8xf32, #tpu.memory_space<vmem>> -> memref<128x8xf32, #tpu.memory_space<vmem>>
    %dma_wait3A_150 = arith.constant 15616 : i32
    %dma_wait3A_151 = tpu.memref_slice %arg5[%dma_wait3A_150] : memref<16384xi32, #tpu.memory_space<vmem>> -> memref<128xi32, #tpu.memory_space<vmem>>
    %dma_wait3A_152 = arith.constant 0 : i32
    %dma_wait3A_153 = tpu.memref_slice %arg2[%mul3A_20, %dma_wait3A_152] : memref<32768x8xf32, #tpu.memory_space<hbm>> -> memref<16384x8xf32, #tpu.memory_space<hbm>>
    %dma_wait3A_154 = arith.constant 0 : i32
    %dma_wait3A_155 = arith.constant 0 : i32
    %dma_wait3A_156 = tpu.memref_slice %dma_wait3A_153[%dma_wait3A_154, %dma_wait3A_155] : memref<16384x8xf32, #tpu.memory_space<hbm>> -> memref<16384x8xf32, #tpu.memory_space<hbm>>
    tpu.wait_indirect_dma semaphore(%arg7 : memref<!tpu.dma_semaphore, #tpu.memory_space<semaphore_mem>>) src(%dma_wait3A_156 : memref<16384x8xf32, #tpu.memory_space<hbm>>) dst(%dma_wait3A_149 : memref<128x8xf32, #tpu.memory_space<vmem>>)
    %dma_wait3A_157 = arith.constant 0 : i32
    %dma_wait3A_158 = arith.constant 384 : i32
    %dma_wait3A_159 = arith.constant 0 : i32
    %dma_wait3A_160 = tpu.memref_slice %arg6[%dma_wait3A_157, %dma_wait3A_158, %dma_wait3A_159] : memref<2x512x8xf32, #tpu.memory_space<vmem>> -> memref<1x128x8xf32, #tpu.memory_space<vmem>>
    %dma_wait3A_161 = tpu.memref_squeeze %dma_wait3A_160 : memref<1x128x8xf32, #tpu.memory_space<vmem>> -> memref<128x8xf32, #tpu.memory_space<vmem>>
    %dma_wait3A_162 = arith.constant 15744 : i32
    %dma_wait3A_163 = tpu.memref_slice %arg5[%dma_wait3A_162] : memref<16384xi32, #tpu.memory_space<vmem>> -> memref<128xi32, #tpu.memory_space<vmem>>
    %dma_wait3A_164 = arith.constant 0 : i32
    %dma_wait3A_165 = tpu.memref_slice %arg2[%mul3A_20, %dma_wait3A_164] : memref<32768x8xf32, #tpu.memory_space<hbm>> -> memref<16384x8xf32, #tpu.memory_space<hbm>>
    %dma_wait3A_166 = arith.constant 0 : i32
    %dma_wait3A_167 = arith.constant 0 : i32
    %dma_wait3A_168 = tpu.memref_slice %dma_wait3A_165[%dma_wait3A_166, %dma_wait3A_167] : memref<16384x8xf32, #tpu.memory_space<hbm>> -> memref<16384x8xf32, #tpu.memory_space<hbm>>
    tpu.wait_indirect_dma semaphore(%arg7 : memref<!tpu.dma_semaphore, #tpu.memory_space<semaphore_mem>>) src(%dma_wait3A_168 : memref<16384x8xf32, #tpu.memory_space<hbm>>) dst(%dma_wait3A_161 : memref<128x8xf32, #tpu.memory_space<vmem>>)
    %add3A_169 = arith.constant 15360 : i32
    %add3A_170 = arith.addi %mul3A_2, %add3A_169 : i32
    %run_scoped3A = arith.constant 0 : i32
    "tpu.region"() ({
      %run_scoped3A_222 = tpu.sem_alloc : memref<!tpu.dma_semaphore, #tpu.memory_space<semaphore_mem>>
      %dma_start3A_223 = arith.constant 0 : i32
      %dma_start3A_224 = arith.constant 0 : i32
      %dma_start3A_225 = tpu.memref_slice %arg6[%run_scoped3A, %dma_start3A_223, %dma_start3A_224] : memref<2x512x8xf32, #tpu.memory_space<vmem>> -> memref<1x512x8xf32, #tpu.memory_space<vmem>>
      %dma_start3A_226 = tpu.memref_squeeze %dma_start3A_225 : memref<1x512x8xf32, #tpu.memory_space<vmem>> -> memref<512x8xf32, #tpu.memory_space<vmem>>
      %dma_start3A_227 = arith.constant 0 : i32
      %dma_start3A_228 = tpu.memref_slice %arg4[%add3A_170, %dma_start3A_227] : memref<524288x8xf32, #tpu.memory_space<hbm>> -> memref<512x8xf32, #tpu.memory_space<hbm>>
      %dma_start3A_229 = arith.constant 0 : i32
      %dma_start3A_230 = tpu.memref_slice %arg4[%add3A_170, %dma_start3A_229] : memref<524288x8xf32, #tpu.memory_space<hbm>> -> memref<512x8xf32, #tpu.memory_space<hbm>>
      %dma_start3A_231 = arith.constant 0 : i32
      %dma_start3A_232 = arith.constant 0 : i32
      %dma_start3A_233 = tpu.memref_slice %arg6[%run_scoped3A, %dma_start3A_231, %dma_start3A_232] : memref<2x512x8xf32, #tpu.memory_space<vmem>> -> memref<1x512x8xf32, #tpu.memory_space<vmem>>
      %dma_start3A_234 = tpu.memref_squeeze %dma_start3A_233 : memref<1x512x8xf32, #tpu.memory_space<vmem>> -> memref<512x8xf32, #tpu.memory_space<vmem>>
      tpu.enqueue_dma source(%dma_start3A_234 : memref<512x8xf32, #tpu.memory_space<vmem>>) target(%dma_start3A_230 : memref<512x8xf32, #tpu.memory_space<hbm>>) target_semaphore(%run_scoped3A_222 : memref<!tpu.dma_semaphore, #tpu.memory_space<semaphore_mem>>)
      %dma_wait3A_235 = arith.constant 0 : i32
      %dma_wait3A_236 = arith.constant 0 : i32
      %dma_wait3A_237 = tpu.memref_slice %arg6[%run_scoped3A, %dma_wait3A_235, %dma_wait3A_236] : memref<2x512x8xf32, #tpu.memory_space<vmem>> -> memref<1x512x8xf32, #tpu.memory_space<vmem>>
      %dma_wait3A_238 = tpu.memref_squeeze %dma_wait3A_237 : memref<1x512x8xf32, #tpu.memory_space<vmem>> -> memref<512x8xf32, #tpu.memory_space<vmem>>
      %dma_wait3A_239 = arith.constant 0 : i32
      %dma_wait3A_240 = tpu.memref_slice %arg4[%add3A_170, %dma_wait3A_239] : memref<524288x8xf32, #tpu.memory_space<hbm>> -> memref<512x8xf32, #tpu.memory_space<hbm>>
      %dma_wait3A_241 = arith.constant 0 : i32
      %dma_wait3A_242 = tpu.memref_slice %arg4[%add3A_170, %dma_wait3A_241] : memref<524288x8xf32, #tpu.memory_space<hbm>> -> memref<512x8xf32, #tpu.memory_space<hbm>>
      %dma_wait3A_243 = arith.constant 0 : i32
      %dma_wait3A_244 = arith.constant 0 : i32
      %dma_wait3A_245 = tpu.memref_slice %arg6[%run_scoped3A, %dma_wait3A_243, %dma_wait3A_244] : memref<2x512x8xf32, #tpu.memory_space<vmem>> -> memref<1x512x8xf32, #tpu.memory_space<vmem>>
      %dma_wait3A_246 = tpu.memref_squeeze %dma_wait3A_245 : memref<1x512x8xf32, #tpu.memory_space<vmem>> -> memref<512x8xf32, #tpu.memory_space<vmem>>
      tpu.wait_dma2 semaphore(%run_scoped3A_222 : memref<!tpu.dma_semaphore, #tpu.memory_space<semaphore_mem>>) src(%dma_wait3A_246 : memref<512x8xf32, #tpu.memory_space<vmem>>) dst(%dma_wait3A_242 : memref<512x8xf32, #tpu.memory_space<hbm>>)
      tpu.yield
    }) : () -> ()
    %dma_wait3A_171 = arith.constant 1 : i32
    %dma_wait3A_172 = arith.constant 0 : i32
    %dma_wait3A_173 = arith.constant 0 : i32
    %dma_wait3A_174 = tpu.memref_slice %arg6[%dma_wait3A_171, %dma_wait3A_172, %dma_wait3A_173] : memref<2x512x8xf32, #tpu.memory_space<vmem>> -> memref<1x128x8xf32, #tpu.memory_space<vmem>>
    %dma_wait3A_175 = tpu.memref_squeeze %dma_wait3A_174 : memref<1x128x8xf32, #tpu.memory_space<vmem>> -> memref<128x8xf32, #tpu.memory_space<vmem>>
    %dma_wait3A_176 = arith.constant 15872 : i32
    %dma_wait3A_177 = tpu.memref_slice %arg5[%dma_wait3A_176] : memref<16384xi32, #tpu.memory_space<vmem>> -> memref<128xi32, #tpu.memory_space<vmem>>
    %dma_wait3A_178 = arith.constant 0 : i32
    %dma_wait3A_179 = tpu.memref_slice %arg2[%mul3A_20, %dma_wait3A_178] : memref<32768x8xf32, #tpu.memory_space<hbm>> -> memref<16384x8xf32, #tpu.memory_space<hbm>>
    %dma_wait3A_180 = arith.constant 0 : i32
    %dma_wait3A_181 = arith.constant 0 : i32
    %dma_wait3A_182 = tpu.memref_slice %dma_wait3A_179[%dma_wait3A_180, %dma_wait3A_181] : memref<16384x8xf32, #tpu.memory_space<hbm>> -> memref<16384x8xf32, #tpu.memory_space<hbm>>
    tpu.wait_indirect_dma semaphore(%arg8 : memref<!tpu.dma_semaphore, #tpu.memory_space<semaphore_mem>>) src(%dma_wait3A_182 : memref<16384x8xf32, #tpu.memory_space<hbm>>) dst(%dma_wait3A_175 : memref<128x8xf32, #tpu.memory_space<vmem>>)
    %dma_wait3A_183 = arith.constant 1 : i32
    %dma_wait3A_184 = arith.constant 128 : i32
    %dma_wait3A_185 = arith.constant 0 : i32
    %dma_wait3A_186 = tpu.memref_slice %arg6[%dma_wait3A_183, %dma_wait3A_184, %dma_wait3A_185] : memref<2x512x8xf32, #tpu.memory_space<vmem>> -> memref<1x128x8xf32, #tpu.memory_space<vmem>>
    %dma_wait3A_187 = tpu.memref_squeeze %dma_wait3A_186 : memref<1x128x8xf32, #tpu.memory_space<vmem>> -> memref<128x8xf32, #tpu.memory_space<vmem>>
    %dma_wait3A_188 = arith.constant 16000 : i32
    %dma_wait3A_189 = tpu.memref_slice %arg5[%dma_wait3A_188] : memref<16384xi32, #tpu.memory_space<vmem>> -> memref<128xi32, #tpu.memory_space<vmem>>
    %dma_wait3A_190 = arith.constant 0 : i32
    %dma_wait3A_191 = tpu.memref_slice %arg2[%mul3A_20, %dma_wait3A_190] : memref<32768x8xf32, #tpu.memory_space<hbm>> -> memref<16384x8xf32, #tpu.memory_space<hbm>>
    %dma_wait3A_192 = arith.constant 0 : i32
    %dma_wait3A_193 = arith.constant 0 : i32
    %dma_wait3A_194 = tpu.memref_slice %dma_wait3A_191[%dma_wait3A_192, %dma_wait3A_193] : memref<16384x8xf32, #tpu.memory_space<hbm>> -> memref<16384x8xf32, #tpu.memory_space<hbm>>
    tpu.wait_indirect_dma semaphore(%arg8 : memref<!tpu.dma_semaphore, #tpu.memory_space<semaphore_mem>>) src(%dma_wait3A_194 : memref<16384x8xf32, #tpu.memory_space<hbm>>) dst(%dma_wait3A_187 : memref<128x8xf32, #tpu.memory_space<vmem>>)
    %dma_wait3A_195 = arith.constant 1 : i32
    %dma_wait3A_196 = arith.constant 256 : i32
    %dma_wait3A_197 = arith.constant 0 : i32
    %dma_wait3A_198 = tpu.memref_slice %arg6[%dma_wait3A_195, %dma_wait3A_196, %dma_wait3A_197] : memref<2x512x8xf32, #tpu.memory_space<vmem>> -> memref<1x128x8xf32, #tpu.memory_space<vmem>>
    %dma_wait3A_199 = tpu.memref_squeeze %dma_wait3A_198 : memref<1x128x8xf32, #tpu.memory_space<vmem>> -> memref<128x8xf32, #tpu.memory_space<vmem>>
    %dma_wait3A_200 = arith.constant 16128 : i32
    %dma_wait3A_201 = tpu.memref_slice %arg5[%dma_wait3A_200] : memref<16384xi32, #tpu.memory_space<vmem>> -> memref<128xi32, #tpu.memory_space<vmem>>
    %dma_wait3A_202 = arith.constant 0 : i32
    %dma_wait3A_203 = tpu.memref_slice %arg2[%mul3A_20, %dma_wait3A_202] : memref<32768x8xf32, #tpu.memory_space<hbm>> -> memref<16384x8xf32, #tpu.memory_space<hbm>>
    %dma_wait3A_204 = arith.constant 0 : i32
    %dma_wait3A_205 = arith.constant 0 : i32
    %dma_wait3A_206 = tpu.memref_slice %dma_wait3A_203[%dma_wait3A_204, %dma_wait3A_205] : memref<16384x8xf32, #tpu.memory_space<hbm>> -> memref<16384x8xf32, #tpu.memory_space<hbm>>
    tpu.wait_indirect_dma semaphore(%arg8 : memref<!tpu.dma_semaphore, #tpu.memory_space<semaphore_mem>>) src(%dma_wait3A_206 : memref<16384x8xf32, #tpu.memory_space<hbm>>) dst(%dma_wait3A_199 : memref<128x8xf32, #tpu.memory_space<vmem>>)
    %dma_wait3A_207 = arith.constant 1 : i32
    %dma_wait3A_208 = arith.constant 384 : i32
    %dma_wait3A_209 = arith.constant 0 : i32
    %dma_wait3A_210 = tpu.memref_slice %arg6[%dma_wait3A_207, %dma_wait3A_208, %dma_wait3A_209] : memref<2x512x8xf32, #tpu.memory_space<vmem>> -> memref<1x128x8xf32, #tpu.memory_space<vmem>>
    %dma_wait3A_211 = tpu.memref_squeeze %dma_wait3A_210 : memref<1x128x8xf32, #tpu.memory_space<vmem>> -> memref<128x8xf32, #tpu.memory_space<vmem>>
    %dma_wait3A_212 = arith.constant 16256 : i32
    %dma_wait3A_213 = tpu.memref_slice %arg5[%dma_wait3A_212] : memref<16384xi32, #tpu.memory_space<vmem>> -> memref<128xi32, #tpu.memory_space<vmem>>
    %dma_wait3A_214 = arith.constant 0 : i32
    %dma_wait3A_215 = tpu.memref_slice %arg2[%mul3A_20, %dma_wait3A_214] : memref<32768x8xf32, #tpu.memory_space<hbm>> -> memref<16384x8xf32, #tpu.memory_space<hbm>>
    %dma_wait3A_216 = arith.constant 0 : i32
    %dma_wait3A_217 = arith.constant 0 : i32
    %dma_wait3A_218 = tpu.memref_slice %dma_wait3A_215[%dma_wait3A_216, %dma_wait3A_217] : memref<16384x8xf32, #tpu.memory_space<hbm>> -> memref<16384x8xf32, #tpu.memory_space<hbm>>
    tpu.wait_indirect_dma semaphore(%arg8 : memref<!tpu.dma_semaphore, #tpu.memory_space<semaphore_mem>>) src(%dma_wait3A_218 : memref<16384x8xf32, #tpu.memory_space<hbm>>) dst(%dma_wait3A_211 : memref<128x8xf32, #tpu.memory_space<vmem>>)
    %add3A_219 = arith.constant 15872 : i32
    %add3A_220 = arith.addi %mul3A_2, %add3A_219 : i32
    %run_scoped3A_221 = arith.constant 1 : i32
    "tpu.region"() ({
      %run_scoped3A_222 = tpu.sem_alloc : memref<!tpu.dma_semaphore, #tpu.memory_space<semaphore_mem>>
      %dma_start3A_223 = arith.constant 0 : i32
      %dma_start3A_224 = arith.constant 0 : i32
      %dma_start3A_225 = tpu.memref_slice %arg6[%run_scoped3A_221, %dma_start3A_223, %dma_start3A_224] : memref<2x512x8xf32, #tpu.memory_space<vmem>> -> memref<1x512x8xf32, #tpu.memory_space<vmem>>
      %dma_start3A_226 = tpu.memref_squeeze %dma_start3A_225 : memref<1x512x8xf32, #tpu.memory_space<vmem>> -> memref<512x8xf32, #tpu.memory_space<vmem>>
      %dma_start3A_227 = arith.constant 0 : i32
      %dma_start3A_228 = tpu.memref_slice %arg4[%add3A_220, %dma_start3A_227] : memref<524288x8xf32, #tpu.memory_space<hbm>> -> memref<512x8xf32, #tpu.memory_space<hbm>>
      %dma_start3A_229 = arith.constant 0 : i32
      %dma_start3A_230 = tpu.memref_slice %arg4[%add3A_220, %dma_start3A_229] : memref<524288x8xf32, #tpu.memory_space<hbm>> -> memref<512x8xf32, #tpu.memory_space<hbm>>
      %dma_start3A_231 = arith.constant 0 : i32
      %dma_start3A_232 = arith.constant 0 : i32
      %dma_start3A_233 = tpu.memref_slice %arg6[%run_scoped3A_221, %dma_start3A_231, %dma_start3A_232] : memref<2x512x8xf32, #tpu.memory_space<vmem>> -> memref<1x512x8xf32, #tpu.memory_space<vmem>>
      %dma_start3A_234 = tpu.memref_squeeze %dma_start3A_233 : memref<1x512x8xf32, #tpu.memory_space<vmem>> -> memref<512x8xf32, #tpu.memory_space<vmem>>
      tpu.enqueue_dma source(%dma_start3A_234 : memref<512x8xf32, #tpu.memory_space<vmem>>) target(%dma_start3A_230 : memref<512x8xf32, #tpu.memory_space<hbm>>) target_semaphore(%run_scoped3A_222 : memref<!tpu.dma_semaphore, #tpu.memory_space<semaphore_mem>>)
      %dma_wait3A_235 = arith.constant 0 : i32
      %dma_wait3A_236 = arith.constant 0 : i32
      %dma_wait3A_237 = tpu.memref_slice %arg6[%run_scoped3A_221, %dma_wait3A_235, %dma_wait3A_236] : memref<2x512x8xf32, #tpu.memory_space<vmem>> -> memref<1x512x8xf32, #tpu.memory_space<vmem>>
      %dma_wait3A_238 = tpu.memref_squeeze %dma_wait3A_237 : memref<1x512x8xf32, #tpu.memory_space<vmem>> -> memref<512x8xf32, #tpu.memory_space<vmem>>
      %dma_wait3A_239 = arith.constant 0 : i32
      %dma_wait3A_240 = tpu.memref_slice %arg4[%add3A_220, %dma_wait3A_239] : memref<524288x8xf32, #tpu.memory_space<hbm>> -> memref<512x8xf32, #tpu.memory_space<hbm>>
      %dma_wait3A_241 = arith.constant 0 : i32
      %dma_wait3A_242 = tpu.memref_slice %arg4[%add3A_220, %dma_wait3A_241] : memref<524288x8xf32, #tpu.memory_space<hbm>> -> memref<512x8xf32, #tpu.memory_space<hbm>>
      %dma_wait3A_243 = arith.constant 0 : i32
      %dma_wait3A_244 = arith.constant 0 : i32
      %dma_wait3A_245 = tpu.memref_slice %arg6[%run_scoped3A_221, %dma_wait3A_243, %dma_wait3A_244] : memref<2x512x8xf32, #tpu.memory_space<vmem>> -> memref<1x512x8xf32, #tpu.memory_space<vmem>>
      %dma_wait3A_246 = tpu.memref_squeeze %dma_wait3A_245 : memref<1x512x8xf32, #tpu.memory_space<vmem>> -> memref<512x8xf32, #tpu.memory_space<vmem>>
      tpu.wait_dma2 semaphore(%run_scoped3A_222 : memref<!tpu.dma_semaphore, #tpu.memory_space<semaphore_mem>>) src(%dma_wait3A_246 : memref<512x8xf32, #tpu.memory_space<vmem>>) dst(%dma_wait3A_242 : memref<512x8xf32, #tpu.memory_space<hbm>>)
      tpu.yield
    }) : () -> ()
    return
  }
}

module attributes {stable_mosaic.version = 14 : i64} {
  func.func @_ds_kernel(%arg0: i32, %arg1: i32, %arg2: memref<1x256x2048xf32, #tpu.memory_space<vmem>>, %arg3: memref<8x256xf32, #tpu.memory_space<vmem>>, %arg4: memref<1x8xf32, #tpu.memory_space<vmem>>, %arg5: memref<128x8xf32, #tpu.memory_space<vmem>>, %arg6: memref<1x2048x8xf32, #tpu.memory_space<vmem>>, %arg7: memref<1x2048x128xf32, #tpu.memory_space<vmem>>) attributes {dimension_semantics = [#tpu.dimension_semantics<arbitrary>, #tpu.dimension_semantics<arbitrary>], iteration_bounds = array<i64: 2, 8>, scalar_prefetch = 0 : i64, scratch_operands = 0 : i64, tpu.core_type = #tpu.core_type<tc>, window_params = [{transform_indices = @transform_0, window_bounds = array<i64: 1, 256, 2048>}, {pipeline_mode = #tpu.pipeline_mode<synchronous>, transform_indices = @transform_1, window_bounds = array<i64: 8, 256>}, {pipeline_mode = #tpu.pipeline_mode<synchronous>, transform_indices = @transform_2, window_bounds = array<i64: 1, 8>}, {pipeline_mode = #tpu.pipeline_mode<synchronous>, transform_indices = @transform_3, window_bounds = array<i64: 128, 8>}, {transform_indices = @transform_4, window_bounds = array<i64: 1, 2048, 8>}, {transform_indices = @transform_5, window_bounds = array<i64: 1, 2048, 128>}]} {
    %get3A = arith.constant 0 : index
    %get3A_0 = arith.constant 0 : index
    %get3A_1 = arith.constant 0 : index
    %get3A_2 = vector.load %arg2[%get3A, %get3A_0, %get3A_1] : memref<1x256x2048xf32, #tpu.memory_space<vmem>>, vector<1x256x2048xf32>
    %get3A_3 = vector.shape_cast %get3A_2 : vector<1x256x2048xf32> to vector<256x2048xf32>
    %get3A_4 = arith.constant 0 : index
    %get3A_5 = arith.constant 0 : index
    %get3A_6 = vector.load %arg3[%get3A_4, %get3A_5] : memref<8x256xf32, #tpu.memory_space<vmem>>, vector<8x256xf32>
    %dot_general3A = arith.constant dense<0.000000e+00> : vector<2048x8xf32>
    %dot_general3A_7 = tpu.matmul %get3A_3, %get3A_6, %dot_general3A {dimension_numbers = #tpu.dot_dimension_numbers<[0], [1], [1], [0], [0, 1, 1, 0], [], []>, transpose_lhs_hint = false} : vector<256x2048xf32>, vector<8x256xf32>, vector<2048x8xf32> -> vector<2048x8xf32>
    %get3A_8 = arith.constant 0 : index
    %get3A_9 = arith.constant 0 : index
    %get3A_10 = vector.load %arg4[%get3A_8, %get3A_9] : memref<1x8xf32, #tpu.memory_space<vmem>>, vector<1x8xf32>
    %add3A = vector.broadcast %get3A_10 : vector<1x8xf32> to vector<2048x8xf32>
    %add3A_11 = arith.addf %dot_general3A_7, %add3A : vector<2048x8xf32>
    %swap3A = arith.constant 0 : index
    %swap3A_12 = arith.constant 0 : index
    %swap3A_13 = arith.constant 0 : index
    %swap3A_14 = vector.load %arg6[%swap3A, %swap3A_12, %swap3A_13] : memref<1x2048x8xf32, #tpu.memory_space<vmem>>, vector<1x2048x8xf32>
    %swap3A_15 = vector.shape_cast %swap3A_14 : vector<1x2048x8xf32> to vector<2048x8xf32>
    %swap3A_16 = vector.shape_cast %add3A_11 : vector<2048x8xf32> to vector<1x2048x8xf32>
    tpu.vector_store %arg6[%swap3A, %swap3A_12, %swap3A_13], %swap3A_16 {strides = array<i32>} : memref<1x2048x8xf32, #tpu.memory_space<vmem>>, vector<1x2048x8xf32>,
    %get3A_17 = arith.constant 0 : index
    %get3A_18 = arith.constant 0 : index
    %get3A_19 = vector.load %arg5[%get3A_17, %get3A_18] : memref<128x8xf32, #tpu.memory_space<vmem>>, vector<128x8xf32>
    %dot_general3A_20 = arith.constant dense<0.000000e+00> : vector<2048x128xf32>
    %dot_general3A_21 = tpu.matmul %add3A_11, %get3A_19, %dot_general3A_20 {dimension_numbers = #tpu.dot_dimension_numbers<[1], [1], [0], [0], [0, 0, 1, 0], [], []>, transpose_lhs_hint = false} : vector<2048x8xf32>, vector<128x8xf32>, vector<2048x128xf32> -> vector<2048x128xf32>
    %swap3A_22 = arith.constant 0 : index
    %swap3A_23 = arith.constant 0 : index
    %swap3A_24 = arith.constant 0 : index
    %swap3A_25 = vector.load %arg7[%swap3A_22, %swap3A_23, %swap3A_24] : memref<1x2048x128xf32, #tpu.memory_space<vmem>>, vector<1x2048x128xf32>
    %swap3A_26 = vector.shape_cast %swap3A_25 : vector<1x2048x128xf32> to vector<2048x128xf32>
    %swap3A_27 = vector.shape_cast %dot_general3A_21 : vector<2048x128xf32> to vector<1x2048x128xf32>
    tpu.vector_store %arg7[%swap3A_22, %swap3A_23, %swap3A_24], %swap3A_27 {strides = array<i32>} : memref<1x2048x128xf32, #tpu.memory_space<vmem>>, vector<1x2048x128xf32>,
    return
  }
  func.func @transform_0(%arg0: i32, %arg1: i32) -> (i32, i32, i32) {
    %c0_i32 = arith.constant 0 : i32
    %c0_i32_0 = arith.constant 0 : i32
    return %arg0, %c0_i32, %arg1 : i32, i32, i32
  }
  func.func @transform_1(%arg0: i32, %arg1: i32) -> (i32, i32) {
    %c0_i32 = arith.constant 0 : i32
    %c0_i32_0 = arith.constant 0 : i32
    %c0_i32_1 = arith.constant 0 : i32
    return %c0_i32, %c0_i32_0 : i32, i32
  }
  func.func @transform_2(%arg0: i32, %arg1: i32) -> (i32, i32) {
    %c0_i32 = arith.constant 0 : i32
    %c0_i32_0 = arith.constant 0 : i32
    %c0_i32_1 = arith.constant 0 : i32
    return %c0_i32, %c0_i32_0 : i32, i32
  }
  func.func @transform_3(%arg0: i32, %arg1: i32) -> (i32, i32) {
    %c0_i32 = arith.constant 0 : i32
    %c0_i32_0 = arith.constant 0 : i32
    %c0_i32_1 = arith.constant 0 : i32
    return %c0_i32, %c0_i32_0 : i32, i32
  }
  func.func @transform_4(%arg0: i32, %arg1: i32) -> (i32, i32, i32) {
    %c0_i32 = arith.constant 0 : i32
    %c0_i32_0 = arith.constant 0 : i32
    return %arg0, %arg1, %c0_i32 : i32, i32, i32
  }
  func.func @transform_5(%arg0: i32, %arg1: i32) -> (i32, i32, i32) {
    %c0_i32 = arith.constant 0 : i32
    %c0_i32_0 = arith.constant 0 : i32
    return %arg0, %arg1, %c0_i32 : i32, i32, i32
  }
}

module attributes {stable_mosaic.version = 14 : i64} {
  func.func @_stats_kernel(%arg0: i32, %arg1: i32, %arg2: memref<1x1024x128xf32, #tpu.memory_space<vmem>>, %arg3: memref<1x1024x128xf32, #tpu.memory_space<vmem>>, %arg4: memref<128x8xf32, #tpu.memory_space<vmem>>, %arg5: memref<1x128xf32, #tpu.memory_space<vmem>>, %arg6: memref<1x1024xf32, #tpu.memory_space<vmem>>, %arg7: memref<3x128xf32, #tpu.memory_space<vmem>>, %arg8: memref<128x128xf32, #tpu.memory_space<vmem>>, %arg9: memref<128x8xf32, #tpu.memory_space<vmem>>) attributes {dimension_semantics = [#tpu.dimension_semantics<arbitrary>, #tpu.dimension_semantics<arbitrary>], iteration_bounds = array<i64: 2, 16>, scalar_prefetch = 0 : i64, scratch_operands = 0 : i64, tpu.core_type = #tpu.core_type<tc>, window_params = [{transform_indices = @transform_0, window_bounds = array<i64: 1, 1024, 128>}, {transform_indices = @transform_1, window_bounds = array<i64: 1, 1024, 128>}, {pipeline_mode = #tpu.pipeline_mode<synchronous>, transform_indices = @transform_2, window_bounds = array<i64: 128, 8>}, {pipeline_mode = #tpu.pipeline_mode<synchronous>, transform_indices = @transform_3, window_bounds = array<i64: 1, 128>}, {pipeline_mode = #tpu.pipeline_mode<synchronous>, transform_indices = @transform_4, window_bounds = array<i64: 1, 1024>}, {pipeline_mode = #tpu.pipeline_mode<synchronous>, transform_indices = @transform_5, window_bounds = array<i64: 3, 128>}, {pipeline_mode = #tpu.pipeline_mode<synchronous>, transform_indices = @transform_6, window_bounds = array<i64: 128, 128>}, {pipeline_mode = #tpu.pipeline_mode<synchronous>, transform_indices = @transform_7, window_bounds = array<i64: 128, 8>}]} {
    %mul3A = arith.constant 16 : i32
    %mul3A_0 = arith.muli %arg0, %mul3A : i32
    %add3A = arith.addi %mul3A_0, %arg1 : i32
    %eq3A = arith.constant 0 : i32
    %eq3A_1 = arith.cmpi eq, %add3A, %eq3A : i32
    %convert_element_type3A = arith.extui %eq3A_1 : i1 to i32
    %cond3A = arith.constant 0 : i32
    %cond3A_2 = arith.cmpi ne, %convert_element_type3A, %cond3A : i32
    scf.if %cond3A_2 {
      %broadcast_in_dim3A = arith.constant 0.000000e+00 : f32
      %broadcast_in_dim3A_58 = vector.broadcast %broadcast_in_dim3A : f32 to vector<3x128xf32>
      %swap3A_59 = arith.constant 0 : index
      %swap3A_60 = arith.constant 0 : index
      %swap3A_61 = vector.load %arg7[%swap3A_59, %swap3A_60] : memref<3x128xf32, #tpu.memory_space<vmem>>, vector<3x128xf32>
      tpu.vector_store %arg7[%swap3A_59, %swap3A_60], %broadcast_in_dim3A_58 {strides = array<i32>} : memref<3x128xf32, #tpu.memory_space<vmem>>, vector<3x128xf32>,
      %broadcast_in_dim3A_62 = arith.constant 0.000000e+00 : f32
      %broadcast_in_dim3A_63 = vector.broadcast %broadcast_in_dim3A_62 : f32 to vector<128x128xf32>
      %swap3A_64 = arith.constant 0 : index
      %swap3A_65 = arith.constant 0 : index
      %swap3A_66 = vector.load %arg8[%swap3A_64, %swap3A_65] : memref<128x128xf32, #tpu.memory_space<vmem>>, vector<128x128xf32>
      tpu.vector_store %arg8[%swap3A_64, %swap3A_65], %broadcast_in_dim3A_63 {strides = array<i32>} : memref<128x128xf32, #tpu.memory_space<vmem>>, vector<128x128xf32>,
      %broadcast_in_dim3A_67 = arith.constant 0.000000e+00 : f32
      %broadcast_in_dim3A_68 = vector.broadcast %broadcast_in_dim3A_67 : f32 to vector<128x8xf32>
      %swap3A_69 = arith.constant 0 : index
      %swap3A_70 = arith.constant 0 : index
      %swap3A_71 = vector.load %arg9[%swap3A_69, %swap3A_70] : memref<128x8xf32, #tpu.memory_space<vmem>>, vector<128x8xf32>
      tpu.vector_store %arg9[%swap3A_69, %swap3A_70], %broadcast_in_dim3A_68 {strides = array<i32>} : memref<128x8xf32, #tpu.memory_space<vmem>>, vector<128x8xf32>,
    } else {
    }
    %get3A = arith.constant 0 : index
    %get3A_3 = arith.constant 0 : index
    %get3A_4 = arith.constant 0 : index
    %get3A_5 = vector.load %arg2[%get3A, %get3A_3, %get3A_4] : memref<1x1024x128xf32, #tpu.memory_space<vmem>>, vector<1x1024x128xf32>
    %get3A_6 = vector.shape_cast %get3A_5 : vector<1x1024x128xf32> to vector<1024x128xf32>
    %get3A_7 = arith.constant 0 : index
    %get3A_8 = arith.constant 0 : index
    %get3A_9 = vector.load %arg5[%get3A_7, %get3A_8] : memref<1x128xf32, #tpu.memory_space<vmem>>, vector<1x128xf32>
    %add3A_10 = vector.broadcast %get3A_9 : vector<1x128xf32> to vector<1024x128xf32>
    %add3A_11 = arith.addf %get3A_6, %add3A_10 : vector<1024x128xf32>
    %get3A_12 = arith.constant 0 : index
    %get3A_13 = arith.constant 0 : index
    %get3A_14 = arith.constant 0 : index
    %get3A_15 = vector.load %arg3[%get3A_12, %get3A_13, %get3A_14] : memref<1x1024x128xf32, #tpu.memory_space<vmem>>, vector<1x1024x128xf32>
    %get3A_16 = vector.shape_cast %get3A_15 : vector<1x1024x128xf32> to vector<1024x128xf32>
    %convert_element_type3A_17 = arith.truncf %get3A_16 : vector<1024x128xf32> to vector<1024x128xbf16>
    %dot_general3A = arith.constant dense<0.000000e+00> : vector<128x128xf32>
    %dot_general3A_18 = tpu.matmul %convert_element_type3A_17, %convert_element_type3A_17, %dot_general3A {dimension_numbers = #tpu.dot_dimension_numbers<[0], [0], [1], [1], [0, 1, 1, 1], [], []>, transpose_lhs_hint = false} : vector<1024x128xbf16>, vector<1024x128xbf16>, vector<128x128xf32> -> vector<128x128xf32>
    %get3A_19 = arith.constant 0 : index
    %get3A_20 = arith.constant 0 : index
    %get3A_21 = vector.load %arg4[%get3A_19, %get3A_20] : memref<128x8xf32, #tpu.memory_space<vmem>>, vector<128x8xf32>
    %dot_general3A_22 = arith.constant dense<0.000000e+00> : vector<1024x8xf32>
    %dot_general3A_23 = tpu.matmul %get3A_16, %get3A_21, %dot_general3A_22 {dimension_numbers = #tpu.dot_dimension_numbers<[1], [0], [0], [1], [0, 0, 1, 1], [], []>, transpose_lhs_hint = false} : vector<1024x128xf32>, vector<128x8xf32>, vector<1024x8xf32> -> vector<1024x8xf32>
    %dot_general3A_24 = arith.constant dense<0.000000e+00> : vector<128x8xf32>
    %dot_general3A_25 = tpu.matmul %add3A_11, %dot_general3A_23, %dot_general3A_24 {dimension_numbers = #tpu.dot_dimension_numbers<[0], [0], [1], [1], [0, 1, 1, 1], [], []>, transpose_lhs_hint = false} : vector<1024x128xf32>, vector<1024x8xf32>, vector<128x8xf32> -> vector<128x8xf32>
    %get3A_26 = arith.constant 0 : index
    %get3A_27 = arith.constant 0 : index
    %get3A_28 = vector.load %arg6[%get3A_26, %get3A_27] : memref<1x1024xf32, #tpu.memory_space<vmem>>, vector<1x1024xf32>
    %dot_general3A_29 = arith.constant dense<0.000000e+00> : vector<1x128xf32>
    %dot_general3A_30 = tpu.matmul %get3A_28, %add3A_11, %dot_general3A_29 {dimension_numbers = #tpu.dot_dimension_numbers<[1], [0], [0], [1], [0, 0, 1, 1], [], []>, transpose_lhs_hint = false} : vector<1x1024xf32>, vector<1024x128xf32>, vector<1x128xf32> -> vector<1x128xf32>
    %mul3A_31 = arith.mulf %add3A_11, %add3A_11 : vector<1024x128xf32>
    %dot_general3A_32 = arith.constant dense<0.000000e+00> : vector<1x128xf32>
    %dot_general3A_33 = tpu.matmul %get3A_28, %mul3A_31, %dot_general3A_32 {dimension_numbers = #tpu.dot_dimension_numbers<[1], [0], [0], [1], [0, 0, 1, 1], [], []>, transpose_lhs_hint = false} : vector<1x1024xf32>, vector<1024x128xf32>, vector<1x128xf32> -> vector<1x128xf32>
    %dot_general3A_34 = arith.constant dense<0.000000e+00> : vector<1x8xf32>
    %dot_general3A_35 = tpu.matmul %get3A_28, %dot_general3A_23, %dot_general3A_34 {dimension_numbers = #tpu.dot_dimension_numbers<[1], [0], [0], [1], [0, 0, 1, 1], [], []>, transpose_lhs_hint = false} : vector<1x1024xf32>, vector<1024x8xf32>, vector<1x8xf32> -> vector<1x8xf32>
    %jit3A = arith.constant 0 : i32
    %convert_element_type3A_36 = arith.sitofp %jit3A : i32 to f32
    %pad3A = vector.broadcast %convert_element_type3A_36 : f32 to vector<1x120xf32>
    %pad3A_37 = tpu.concatenate %dot_general3A_35, %pad3A in 1 : vector<1x8xf32>, vector<1x120xf32> -> vector<1x128xf32>
    %get3A_38 = arith.constant 0 : index
    %get3A_39 = arith.constant 0 : index
    %get3A_40 = vector.load %arg7[%get3A_38, %get3A_39] : memref<3x128xf32, #tpu.memory_space<vmem>>, vector<3x128xf32>
    %concatenate3A = tpu.concatenate %dot_general3A_30, %dot_general3A_33, %pad3A_37 in 0 : vector<1x128xf32>, vector<1x128xf32>, vector<1x128xf32> -> vector<3x128xf32>
    %add3A_41 = arith.addf %get3A_40, %concatenate3A : vector<3x128xf32>
    %swap3A = arith.constant 0 : index
    %swap3A_42 = arith.constant 0 : index
    %swap3A_43 = vector.load %arg7[%swap3A, %swap3A_42] : memref<3x128xf32, #tpu.memory_space<vmem>>, vector<3x128xf32>
    tpu.vector_store %arg7[%swap3A, %swap3A_42], %add3A_41 {strides = array<i32>} : memref<3x128xf32, #tpu.memory_space<vmem>>, vector<3x128xf32>,
    %get3A_44 = arith.constant 0 : index
    %get3A_45 = arith.constant 0 : index
    %get3A_46 = vector.load %arg8[%get3A_44, %get3A_45] : memref<128x128xf32, #tpu.memory_space<vmem>>, vector<128x128xf32>
    %add3A_47 = arith.addf %get3A_46, %dot_general3A_18 : vector<128x128xf32>
    %swap3A_48 = arith.constant 0 : index
    %swap3A_49 = arith.constant 0 : index
    %swap3A_50 = vector.load %arg8[%swap3A_48, %swap3A_49] : memref<128x128xf32, #tpu.memory_space<vmem>>, vector<128x128xf32>
    tpu.vector_store %arg8[%swap3A_48, %swap3A_49], %add3A_47 {strides = array<i32>} : memref<128x128xf32, #tpu.memory_space<vmem>>, vector<128x128xf32>,
    %get3A_51 = arith.constant 0 : index
    %get3A_52 = arith.constant 0 : index
    %get3A_53 = vector.load %arg9[%get3A_51, %get3A_52] : memref<128x8xf32, #tpu.memory_space<vmem>>, vector<128x8xf32>
    %add3A_54 = arith.addf %get3A_53, %dot_general3A_25 : vector<128x8xf32>
    %swap3A_55 = arith.constant 0 : index
    %swap3A_56 = arith.constant 0 : index
    %swap3A_57 = vector.load %arg9[%swap3A_55, %swap3A_56] : memref<128x8xf32, #tpu.memory_space<vmem>>, vector<128x8xf32>
    tpu.vector_store %arg9[%swap3A_55, %swap3A_56], %add3A_54 {strides = array<i32>} : memref<128x8xf32, #tpu.memory_space<vmem>>, vector<128x8xf32>,
    return
  }
  func.func @transform_0(%arg0: i32, %arg1: i32) -> (i32, i32, i32) {
    %c0_i32 = arith.constant 0 : i32
    %c0_i32_0 = arith.constant 0 : i32
    return %arg0, %arg1, %c0_i32 : i32, i32, i32
  }
  func.func @transform_1(%arg0: i32, %arg1: i32) -> (i32, i32, i32) {
    %c0_i32 = arith.constant 0 : i32
    %c0_i32_0 = arith.constant 0 : i32
    return %arg0, %arg1, %c0_i32 : i32, i32, i32
  }
  func.func @transform_2(%arg0: i32, %arg1: i32) -> (i32, i32) {
    %c0_i32 = arith.constant 0 : i32
    %c0_i32_0 = arith.constant 0 : i32
    %c0_i32_1 = arith.constant 0 : i32
    return %c0_i32, %c0_i32_0 : i32, i32
  }
  func.func @transform_3(%arg0: i32, %arg1: i32) -> (i32, i32) {
    %c0_i32 = arith.constant 0 : i32
    %c0_i32_0 = arith.constant 0 : i32
    %c0_i32_1 = arith.constant 0 : i32
    return %c0_i32, %c0_i32_0 : i32, i32
  }
  func.func @transform_4(%arg0: i32, %arg1: i32) -> (i32, i32) {
    %c0_i32 = arith.constant 0 : i32
    %c0_i32_0 = arith.constant 0 : i32
    %c0_i32_1 = arith.constant 0 : i32
    return %c0_i32, %c0_i32_0 : i32, i32
  }
  func.func @transform_5(%arg0: i32, %arg1: i32) -> (i32, i32) {
    %c0_i32 = arith.constant 0 : i32
    %c0_i32_0 = arith.constant 0 : i32
    %c0_i32_1 = arith.constant 0 : i32
    return %c0_i32, %c0_i32_0 : i32, i32
  }
  func.func @transform_6(%arg0: i32, %arg1: i32) -> (i32, i32) {
    %c0_i32 = arith.constant 0 : i32
    %c0_i32_0 = arith.constant 0 : i32
    %c0_i32_1 = arith.constant 0 : i32
    return %c0_i32, %c0_i32_0 : i32, i32
  }
  func.func @transform_7(%arg0: i32, %arg1: i32) -> (i32, i32) {
    %c0_i32 = arith.constant 0 : i32
    %c0_i32_0 = arith.constant 0 : i32
    %c0_i32_1 = arith.constant 0 : i32
    return %c0_i32, %c0_i32_0 : i32, i32
  }
}

module attributes {stable_mosaic.version = 14 : i64} {
  func.func @_main_kernel(%arg0: i32, %arg1: i32, %arg2: memref<1x1024x128xf32, #tpu.memory_space<vmem>>, %arg3: memref<1x1024x128xf32, #tpu.memory_space<vmem>>, %arg4: memref<128x2048xbf16, #tpu.memory_space<vmem>>, %arg5: memref<1x128xf32, #tpu.memory_space<vmem>>, %arg6: memref<2x128xf32, #tpu.memory_space<vmem>>, %arg7: memref<256x256xbf16, #tpu.memory_space<vmem>>, %arg8: memref<1x128xf32, #tpu.memory_space<vmem>>, %arg9: memref<1x128x1024xf32, #tpu.memory_space<vmem>>) attributes {dimension_semantics = [#tpu.dimension_semantics<arbitrary>, #tpu.dimension_semantics<arbitrary>], iteration_bounds = array<i64: 2, 16>, scalar_prefetch = 0 : i64, scratch_operands = 0 : i64, tpu.core_type = #tpu.core_type<tc>, window_params = [{transform_indices = @transform_0, window_bounds = array<i64: 1, 1024, 128>}, {transform_indices = @transform_1, window_bounds = array<i64: 1, 1024, 128>}, {pipeline_mode = #tpu.pipeline_mode<synchronous>, transform_indices = @transform_2, window_bounds = array<i64: 128, 2048>}, {pipeline_mode = #tpu.pipeline_mode<synchronous>, transform_indices = @transform_3, window_bounds = array<i64: 1, 128>}, {pipeline_mode = #tpu.pipeline_mode<synchronous>, transform_indices = @transform_4, window_bounds = array<i64: 2, 128>}, {pipeline_mode = #tpu.pipeline_mode<synchronous>, transform_indices = @transform_5, window_bounds = array<i64: 256, 256>}, {pipeline_mode = #tpu.pipeline_mode<synchronous>, transform_indices = @transform_6, window_bounds = array<i64: 1, 128>}, {transform_indices = @transform_7, window_bounds = array<i64: 1, 128, 1024>}]} {
    %get3A = arith.constant 0 : index
    %get3A_0 = arith.constant 0 : index
    %get3A_1 = arith.constant 0 : index
    %get3A_2 = vector.load %arg2[%get3A, %get3A_0, %get3A_1] : memref<1x1024x128xf32, #tpu.memory_space<vmem>>, vector<1x1024x128xf32>
    %get3A_3 = vector.shape_cast %get3A_2 : vector<1x1024x128xf32> to vector<1024x128xf32>
    %get3A_4 = arith.constant 0 : index
    %get3A_5 = arith.constant 0 : index
    %get3A_6 = arith.constant 0 : index
    %get3A_7 = vector.load %arg3[%get3A_4, %get3A_5, %get3A_6] : memref<1x1024x128xf32, #tpu.memory_space<vmem>>, vector<1x1024x128xf32>
    %get3A_8 = vector.shape_cast %get3A_7 : vector<1x1024x128xf32> to vector<1024x128xf32>
    %convert_element_type3A = arith.truncf %get3A_8 : vector<1024x128xf32> to vector<1024x128xbf16>
    %get3A_9 = arith.constant 0 : index
    %get3A_10 = arith.constant 0 : index
    %get3A_11 = vector.load %arg4[%get3A_9, %get3A_10] : memref<128x2048xbf16, #tpu.memory_space<vmem>>, vector<128x2048xbf16>
    %dot_general3A = arith.constant dense<0.000000e+00> : vector<1024x2048xf32>
    %dot_general3A_12 = tpu.matmul %convert_element_type3A, %get3A_11, %dot_general3A {dimension_numbers = #tpu.dot_dimension_numbers<[1], [0], [0], [1], [0, 0, 1, 1], [], []>, transpose_lhs_hint = false} : vector<1024x128xbf16>, vector<128x2048xbf16>, vector<1024x2048xf32> -> vector<1024x2048xf32>
    %convert_element_type3A_13 = arith.truncf %dot_general3A_12 : vector<1024x2048xf32> to vector<1024x2048xbf16>
    %get3A_14 = arith.constant 0 : index
    %get3A_15 = arith.constant 0 : index
    %get3A_16 = vector.load %arg6[%get3A_14, %get3A_15] : memref<2x128xf32, #tpu.memory_space<vmem>>, vector<1x128xf32>
    %get3A_17 = vector.shape_cast %get3A_16 : vector<1x128xf32> to vector<128xf32>
    %broadcast_in_dim3A = vector.shape_cast %get3A_17 : vector<128xf32> to vector<1x128xf32>
    %get3A_18 = arith.constant 1 : index
    %get3A_19 = arith.constant 0 : index
    %get3A_20 = vector.load %arg6[%get3A_18, %get3A_19] : memref<2x128xf32, #tpu.memory_space<vmem>>, vector<1x128xf32>
    %get3A_21 = vector.shape_cast %get3A_20 : vector<1x128xf32> to vector<128xf32>
    %broadcast_in_dim3A_22 = vector.shape_cast %get3A_21 : vector<128xf32> to vector<1x128xf32>
    %convert_element_type3A_23 = arith.truncf %broadcast_in_dim3A : vector<1x128xf32> to vector<1x128xbf16>
    %get3A_24 = arith.constant 0 : index
    %get3A_25 = arith.constant 0 : index
    %get3A_26 = vector.load %arg5[%get3A_24, %get3A_25] : memref<1x128xf32, #tpu.memory_space<vmem>>, vector<1x128xf32>
    %add3A = vector.broadcast %get3A_26 : vector<1x128xf32> to vector<1024x128xf32>
    %add3A_27 = arith.addf %get3A_3, %add3A : vector<1024x128xf32>
    %mul3A = vector.broadcast %broadcast_in_dim3A : vector<1x128xf32> to vector<1024x128xf32>
    %mul3A_28 = arith.mulf %add3A_27, %mul3A : vector<1024x128xf32>
    %add3A_29 = vector.broadcast %broadcast_in_dim3A_22 : vector<1x128xf32> to vector<1024x128xf32>
    %add3A_30 = arith.addf %mul3A_28, %add3A_29 : vector<1024x128xf32>
    %convert_element_type3A_31 = arith.truncf %add3A_30 : vector<1024x128xf32> to vector<1024x128xbf16>
    %slice3A = vector.extract_strided_slice %convert_element_type3A_13 {offsets = [0, 0], sizes = [1024, 128], strides = [1, 1]} : vector<1024x2048xbf16> to vector<1024x128xbf16>
    %mul3A_32 = vector.broadcast %convert_element_type3A_23 : vector<1x128xbf16> to vector<1024x128xbf16>
    %mul3A_33 = arith.mulf %slice3A, %mul3A_32 : vector<1024x128xbf16>
    %sub3A = arith.subf %convert_element_type3A_31, %mul3A_33 : vector<1024x128xbf16>
    %slice3A_34 = vector.extract_strided_slice %convert_element_type3A_13 {offsets = [0, 128], sizes = [1024, 128], strides = [1, 1]} : vector<1024x2048xbf16> to vector<1024x128xbf16>
    %mul3A_35 = vector.broadcast %convert_element_type3A_23 : vector<1x128xbf16> to vector<1024x128xbf16>
    %mul3A_36 = arith.mulf %slice3A_34, %mul3A_35 : vector<1024x128xbf16>
    %sub3A_37 = arith.subf %convert_element_type3A_31, %mul3A_36 : vector<1024x128xbf16>
    %max3A = arith.constant 0.000000e+00 : bf16
    %max3A_38 = vector.broadcast %max3A : bf16 to vector<1024x128xbf16>
    %max3A_39 = arith.maximumf %sub3A, %max3A_38 : vector<1024x128xbf16>
    %max3A_40 = arith.constant 0.000000e+00 : bf16
    %max3A_41 = vector.broadcast %max3A_40 : bf16 to vector<1024x128xbf16>
    %max3A_42 = arith.maximumf %sub3A_37, %max3A_41 : vector<1024x128xbf16>
    %concatenate3A = tpu.concatenate %max3A_39, %max3A_42 in 1 : vector<1024x128xbf16>, vector<1024x128xbf16> -> vector<1024x256xbf16>
    %slice3A_43 = vector.extract_strided_slice %convert_element_type3A_13 {offsets = [0, 256], sizes = [1024, 128], strides = [1, 1]} : vector<1024x2048xbf16> to vector<1024x128xbf16>
    %mul3A_44 = vector.broadcast %convert_element_type3A_23 : vector<1x128xbf16> to vector<1024x128xbf16>
    %mul3A_45 = arith.mulf %slice3A_43, %mul3A_44 : vector<1024x128xbf16>
    %sub3A_46 = arith.subf %convert_element_type3A_31, %mul3A_45 : vector<1024x128xbf16>
    %slice3A_47 = vector.extract_strided_slice %convert_element_type3A_13 {offsets = [0, 384], sizes = [1024, 128], strides = [1, 1]} : vector<1024x2048xbf16> to vector<1024x128xbf16>
    %mul3A_48 = vector.broadcast %convert_element_type3A_23 : vector<1x128xbf16> to vector<1024x128xbf16>
    %mul3A_49 = arith.mulf %slice3A_47, %mul3A_48 : vector<1024x128xbf16>
    %sub3A_50 = arith.subf %convert_element_type3A_31, %mul3A_49 : vector<1024x128xbf16>
    %max3A_51 = arith.constant 0.000000e+00 : bf16
    %max3A_52 = vector.broadcast %max3A_51 : bf16 to vector<1024x128xbf16>
    %max3A_53 = arith.maximumf %sub3A_46, %max3A_52 : vector<1024x128xbf16>
    %max3A_54 = arith.constant 0.000000e+00 : bf16
    %max3A_55 = vector.broadcast %max3A_54 : bf16 to vector<1024x128xbf16>
    %max3A_56 = arith.maximumf %sub3A_50, %max3A_55 : vector<1024x128xbf16>
    %concatenate3A_57 = tpu.concatenate %max3A_53, %max3A_56 in 1 : vector<1024x128xbf16>, vector<1024x128xbf16> -> vector<1024x256xbf16>
    %slice3A_58 = vector.extract_strided_slice %convert_element_type3A_13 {offsets = [0, 512], sizes = [1024, 128], strides = [1, 1]} : vector<1024x2048xbf16> to vector<1024x128xbf16>
    %mul3A_59 = vector.broadcast %convert_element_type3A_23 : vector<1x128xbf16> to vector<1024x128xbf16>
    %mul3A_60 = arith.mulf %slice3A_58, %mul3A_59 : vector<1024x128xbf16>
    %sub3A_61 = arith.subf %convert_element_type3A_31, %mul3A_60 : vector<1024x128xbf16>
    %slice3A_62 = vector.extract_strided_slice %convert_element_type3A_13 {offsets = [0, 640], sizes = [1024, 128], strides = [1, 1]} : vector<1024x2048xbf16> to vector<1024x128xbf16>
    %mul3A_63 = vector.broadcast %convert_element_type3A_23 : vector<1x128xbf16> to vector<1024x128xbf16>
    %mul3A_64 = arith.mulf %slice3A_62, %mul3A_63 : vector<1024x128xbf16>
    %sub3A_65 = arith.subf %convert_element_type3A_31, %mul3A_64 : vector<1024x128xbf16>
    %max3A_66 = arith.constant 0.000000e+00 : bf16
    %max3A_67 = vector.broadcast %max3A_66 : bf16 to vector<1024x128xbf16>
    %max3A_68 = arith.maximumf %sub3A_61, %max3A_67 : vector<1024x128xbf16>
    %max3A_69 = arith.constant 0.000000e+00 : bf16
    %max3A_70 = vector.broadcast %max3A_69 : bf16 to vector<1024x128xbf16>
    %max3A_71 = arith.maximumf %sub3A_65, %max3A_70 : vector<1024x128xbf16>
    %concatenate3A_72 = tpu.concatenate %max3A_68, %max3A_71 in 1 : vector<1024x128xbf16>, vector<1024x128xbf16> -> vector<1024x256xbf16>
    %slice3A_73 = vector.extract_strided_slice %convert_element_type3A_13 {offsets = [0, 768], sizes = [1024, 128], strides = [1, 1]} : vector<1024x2048xbf16> to vector<1024x128xbf16>
    %mul3A_74 = vector.broadcast %convert_element_type3A_23 : vector<1x128xbf16> to vector<1024x128xbf16>
    %mul3A_75 = arith.mulf %slice3A_73, %mul3A_74 : vector<1024x128xbf16>
    %sub3A_76 = arith.subf %convert_element_type3A_31, %mul3A_75 : vector<1024x128xbf16>
    %slice3A_77 = vector.extract_strided_slice %convert_element_type3A_13 {offsets = [0, 896], sizes = [1024, 128], strides = [1, 1]} : vector<1024x2048xbf16> to vector<1024x128xbf16>
    %mul3A_78 = vector.broadcast %convert_element_type3A_23 : vector<1x128xbf16> to vector<1024x128xbf16>
    %mul3A_79 = arith.mulf %slice3A_77, %mul3A_78 : vector<1024x128xbf16>
    %sub3A_80 = arith.subf %convert_element_type3A_31, %mul3A_79 : vector<1024x128xbf16>
    %max3A_81 = arith.constant 0.000000e+00 : bf16
    %max3A_82 = vector.broadcast %max3A_81 : bf16 to vector<1024x128xbf16>
    %max3A_83 = arith.maximumf %sub3A_76, %max3A_82 : vector<1024x128xbf16>
    %max3A_84 = arith.constant 0.000000e+00 : bf16
    %max3A_85 = vector.broadcast %max3A_84 : bf16 to vector<1024x128xbf16>
    %max3A_86 = arith.maximumf %sub3A_80, %max3A_85 : vector<1024x128xbf16>
    %concatenate3A_87 = tpu.concatenate %max3A_83, %max3A_86 in 1 : vector<1024x128xbf16>, vector<1024x128xbf16> -> vector<1024x256xbf16>
    %slice3A_88 = vector.extract_strided_slice %convert_element_type3A_13 {offsets = [0, 1024], sizes = [1024, 128], strides = [1, 1]} : vector<1024x2048xbf16> to vector<1024x128xbf16>
    %mul3A_89 = vector.broadcast %convert_element_type3A_23 : vector<1x128xbf16> to vector<1024x128xbf16>
    %mul3A_90 = arith.mulf %slice3A_88, %mul3A_89 : vector<1024x128xbf16>
    %sub3A_91 = arith.subf %convert_element_type3A_31, %mul3A_90 : vector<1024x128xbf16>
    %slice3A_92 = vector.extract_strided_slice %convert_element_type3A_13 {offsets = [0, 1152], sizes = [1024, 128], strides = [1, 1]} : vector<1024x2048xbf16> to vector<1024x128xbf16>
    %mul3A_93 = vector.broadcast %convert_element_type3A_23 : vector<1x128xbf16> to vector<1024x128xbf16>
    %mul3A_94 = arith.mulf %slice3A_92, %mul3A_93 : vector<1024x128xbf16>
    %sub3A_95 = arith.subf %convert_element_type3A_31, %mul3A_94 : vector<1024x128xbf16>
    %max3A_96 = arith.constant 0.000000e+00 : bf16
    %max3A_97 = vector.broadcast %max3A_96 : bf16 to vector<1024x128xbf16>
    %max3A_98 = arith.maximumf %sub3A_91, %max3A_97 : vector<1024x128xbf16>
    %max3A_99 = arith.constant 0.000000e+00 : bf16
    %max3A_100 = vector.broadcast %max3A_99 : bf16 to vector<1024x128xbf16>
    %max3A_101 = arith.maximumf %sub3A_95, %max3A_100 : vector<1024x128xbf16>
    %concatenate3A_102 = tpu.concatenate %max3A_98, %max3A_101 in 1 : vector<1024x128xbf16>, vector<1024x128xbf16> -> vector<1024x256xbf16>
    %slice3A_103 = vector.extract_strided_slice %convert_element_type3A_13 {offsets = [0, 1280], sizes = [1024, 128], strides = [1, 1]} : vector<1024x2048xbf16> to vector<1024x128xbf16>
    %mul3A_104 = vector.broadcast %convert_element_type3A_23 : vector<1x128xbf16> to vector<1024x128xbf16>
    %mul3A_105 = arith.mulf %slice3A_103, %mul3A_104 : vector<1024x128xbf16>
    %sub3A_106 = arith.subf %convert_element_type3A_31, %mul3A_105 : vector<1024x128xbf16>
    %slice3A_107 = vector.extract_strided_slice %convert_element_type3A_13 {offsets = [0, 1408], sizes = [1024, 128], strides = [1, 1]} : vector<1024x2048xbf16> to vector<1024x128xbf16>
    %mul3A_108 = vector.broadcast %convert_element_type3A_23 : vector<1x128xbf16> to vector<1024x128xbf16>
    %mul3A_109 = arith.mulf %slice3A_107, %mul3A_108 : vector<1024x128xbf16>
    %sub3A_110 = arith.subf %convert_element_type3A_31, %mul3A_109 : vector<1024x128xbf16>
    %max3A_111 = arith.constant 0.000000e+00 : bf16
    %max3A_112 = vector.broadcast %max3A_111 : bf16 to vector<1024x128xbf16>
    %max3A_113 = arith.maximumf %sub3A_106, %max3A_112 : vector<1024x128xbf16>
    %max3A_114 = arith.constant 0.000000e+00 : bf16
    %max3A_115 = vector.broadcast %max3A_114 : bf16 to vector<1024x128xbf16>
    %max3A_116 = arith.maximumf %sub3A_110, %max3A_115 : vector<1024x128xbf16>
    %concatenate3A_117 = tpu.concatenate %max3A_113, %max3A_116 in 1 : vector<1024x128xbf16>, vector<1024x128xbf16> -> vector<1024x256xbf16>
    %slice3A_118 = vector.extract_strided_slice %convert_element_type3A_13 {offsets = [0, 1536], sizes = [1024, 128], strides = [1, 1]} : vector<1024x2048xbf16> to vector<1024x128xbf16>
    %mul3A_119 = vector.broadcast %convert_element_type3A_23 : vector<1x128xbf16> to vector<1024x128xbf16>
    %mul3A_120 = arith.mulf %slice3A_118, %mul3A_119 : vector<1024x128xbf16>
    %sub3A_121 = arith.subf %convert_element_type3A_31, %mul3A_120 : vector<1024x128xbf16>
    %slice3A_122 = vector.extract_strided_slice %convert_element_type3A_13 {offsets = [0, 1664], sizes = [1024, 128], strides = [1, 1]} : vector<1024x2048xbf16> to vector<1024x128xbf16>
    %mul3A_123 = vector.broadcast %convert_element_type3A_23 : vector<1x128xbf16> to vector<1024x128xbf16>
    %mul3A_124 = arith.mulf %slice3A_122, %mul3A_123 : vector<1024x128xbf16>
    %sub3A_125 = arith.subf %convert_element_type3A_31, %mul3A_124 : vector<1024x128xbf16>
    %max3A_126 = arith.constant 0.000000e+00 : bf16
    %max3A_127 = vector.broadcast %max3A_126 : bf16 to vector<1024x128xbf16>
    %max3A_128 = arith.maximumf %sub3A_121, %max3A_127 : vector<1024x128xbf16>
    %max3A_129 = arith.constant 0.000000e+00 : bf16
    %max3A_130 = vector.broadcast %max3A_129 : bf16 to vector<1024x128xbf16>
    %max3A_131 = arith.maximumf %sub3A_125, %max3A_130 : vector<1024x128xbf16>
    %concatenate3A_132 = tpu.concatenate %max3A_128, %max3A_131 in 1 : vector<1024x128xbf16>, vector<1024x128xbf16> -> vector<1024x256xbf16>
    %slice3A_133 = vector.extract_strided_slice %convert_element_type3A_13 {offsets = [0, 1792], sizes = [1024, 128], strides = [1, 1]} : vector<1024x2048xbf16> to vector<1024x128xbf16>
    %mul3A_134 = vector.broadcast %convert_element_type3A_23 : vector<1x128xbf16> to vector<1024x128xbf16>
    %mul3A_135 = arith.mulf %slice3A_133, %mul3A_134 : vector<1024x128xbf16>
    %sub3A_136 = arith.subf %convert_element_type3A_31, %mul3A_135 : vector<1024x128xbf16>
    %slice3A_137 = vector.extract_strided_slice %convert_element_type3A_13 {offsets = [0, 1920], sizes = [1024, 128], strides = [1, 1]} : vector<1024x2048xbf16> to vector<1024x128xbf16>
    %mul3A_138 = vector.broadcast %convert_element_type3A_23 : vector<1x128xbf16> to vector<1024x128xbf16>
    %mul3A_139 = arith.mulf %slice3A_137, %mul3A_138 : vector<1024x128xbf16>
    %sub3A_140 = arith.subf %convert_element_type3A_31, %mul3A_139 : vector<1024x128xbf16>
    %max3A_141 = arith.constant 0.000000e+00 : bf16
    %max3A_142 = vector.broadcast %max3A_141 : bf16 to vector<1024x128xbf16>
    %max3A_143 = arith.maximumf %sub3A_136, %max3A_142 : vector<1024x128xbf16>
    %max3A_144 = arith.constant 0.000000e+00 : bf16
    %max3A_145 = vector.broadcast %max3A_144 : bf16 to vector<1024x128xbf16>
    %max3A_146 = arith.maximumf %sub3A_140, %max3A_145 : vector<1024x128xbf16>
    %concatenate3A_147 = tpu.concatenate %max3A_143, %max3A_146 in 1 : vector<1024x128xbf16>, vector<1024x128xbf16> -> vector<1024x256xbf16>
    %concatenate3A_148 = tpu.concatenate %concatenate3A, %concatenate3A_57, %concatenate3A_72, %concatenate3A_87, %concatenate3A_102, %concatenate3A_117, %concatenate3A_132, %concatenate3A_147 in 0 : vector<1024x256xbf16>, vector<1024x256xbf16>, vector<1024x256xbf16>, vector<1024x256xbf16>, vector<1024x256xbf16>, vector<1024x256xbf16>, vector<1024x256xbf16>, vector<1024x256xbf16> -> vector<8192x256xbf16>
    %get3A_149 = arith.constant 0 : index
    %get3A_150 = arith.constant 0 : index
    %get3A_151 = vector.load %arg7[%get3A_149, %get3A_150] : memref<256x256xbf16, #tpu.memory_space<vmem>>, vector<256x256xbf16>
    %dot_general3A_152 = arith.constant dense<0.000000e+00> : vector<8192x256xf32>
    %dot_general3A_153 = tpu.matmul %concatenate3A_148, %get3A_151, %dot_general3A_152 {dimension_numbers = #tpu.dot_dimension_numbers<[1], [0], [0], [1], [0, 0, 1, 1], [], []>, transpose_lhs_hint = false} : vector<8192x256xbf16>, vector<256x256xbf16>, vector<8192x256xf32> -> vector<8192x256xf32>
    %reshape3A = vector.shape_cast %dot_general3A_153 : vector<8192x256xf32> to vector<8x1024x256xf32>
    %reduce_max3A = arith.constant dense<0xFF800000> : vector<1024x256xf32>
    %reduce_max3A_154 = vector.multi_reduction <maximumf>, %reshape3A, %reduce_max3A [0] : vector<8x1024x256xf32> to vector<1024x256xf32>
    %slice3A_155 = vector.extract_strided_slice %reduce_max3A_154 {offsets = [0, 0], sizes = [1024, 128], strides = [1, 1]} : vector<1024x256xf32> to vector<1024x128xf32>
    %slice3A_156 = vector.extract_strided_slice %reduce_max3A_154 {offsets = [0, 128], sizes = [1024, 128], strides = [1, 1]} : vector<1024x256xf32> to vector<1024x128xf32>
    %max3A_157 = arith.maximumf %slice3A_155, %slice3A_156 : vector<1024x128xf32>
    %get3A_158 = arith.constant 0 : index
    %get3A_159 = arith.constant 0 : index
    %get3A_160 = vector.load %arg8[%get3A_158, %get3A_159] : memref<1x128xf32, #tpu.memory_space<vmem>>, vector<1x128xf32>
    %add3A_161 = vector.broadcast %get3A_160 : vector<1x128xf32> to vector<1024x128xf32>
    %add3A_162 = arith.addf %max3A_157, %add3A_161 : vector<1024x128xf32>
    %transpose3A = tpu.transpose %add3A_162, [1, 0] : vector<1024x128xf32> -> vector<128x1024xf32>
    %swap3A = arith.constant 0 : index
    %swap3A_163 = arith.constant 0 : index
    %swap3A_164 = arith.constant 0 : index
    %swap3A_165 = vector.load %arg9[%swap3A, %swap3A_163, %swap3A_164] : memref<1x128x1024xf32, #tpu.memory_space<vmem>>, vector<1x128x1024xf32>
    %swap3A_166 = vector.shape_cast %swap3A_165 : vector<1x128x1024xf32> to vector<128x1024xf32>
    %swap3A_167 = vector.shape_cast %transpose3A : vector<128x1024xf32> to vector<1x128x1024xf32>
    tpu.vector_store %arg9[%swap3A, %swap3A_163, %swap3A_164], %swap3A_167 {strides = array<i32>} : memref<1x128x1024xf32, #tpu.memory_space<vmem>>, vector<1x128x1024xf32>,
    return
  }
  func.func @transform_0(%arg0: i32, %arg1: i32) -> (i32, i32, i32) {
    %c0_i32 = arith.constant 0 : i32
    %c0_i32_0 = arith.constant 0 : i32
    return %arg0, %arg1, %c0_i32 : i32, i32, i32
  }
  func.func @transform_1(%arg0: i32, %arg1: i32) -> (i32, i32, i32) {
    %c0_i32 = arith.constant 0 : i32
    %c0_i32_0 = arith.constant 0 : i32
    return %arg0, %arg1, %c0_i32 : i32, i32, i32
  }
  func.func @transform_2(%arg0: i32, %arg1: i32) -> (i32, i32) {
    %c0_i32 = arith.constant 0 : i32
    %c0_i32_0 = arith.constant 0 : i32
    %c0_i32_1 = arith.constant 0 : i32
    return %c0_i32, %c0_i32_0 : i32, i32
  }
  func.func @transform_3(%arg0: i32, %arg1: i32) -> (i32, i32) {
    %c0_i32 = arith.constant 0 : i32
    %c0_i32_0 = arith.constant 0 : i32
    %c0_i32_1 = arith.constant 0 : i32
    return %c0_i32, %c0_i32_0 : i32, i32
  }
  func.func @transform_4(%arg0: i32, %arg1: i32) -> (i32, i32) {
    %c0_i32 = arith.constant 0 : i32
    %c0_i32_0 = arith.constant 0 : i32
    %c0_i32_1 = arith.constant 0 : i32
    return %c0_i32, %c0_i32_0 : i32, i32
  }
  func.func @transform_5(%arg0: i32, %arg1: i32) -> (i32, i32) {
    %c0_i32 = arith.constant 0 : i32
    %c0_i32_0 = arith.constant 0 : i32
    %c0_i32_1 = arith.constant 0 : i32
    return %c0_i32, %c0_i32_0 : i32, i32
  }
  func.func @transform_6(%arg0: i32, %arg1: i32) -> (i32, i32) {
    %c0_i32 = arith.constant 0 : i32
    %c0_i32_0 = arith.constant 0 : i32
    %c0_i32_1 = arith.constant 0 : i32
    return %c0_i32, %c0_i32_0 : i32, i32
  }
  func.func @transform_7(%arg0: i32, %arg1: i32) -> (i32, i32, i32) {
    %c0_i32 = arith.constant 0 : i32
    %c0_i32_0 = arith.constant 0 : i32
    return %arg0, %c0_i32, %arg1 : i32, i32, i32
  }
}

</mosaic_0001>

<sc_bundles>
// kernel: kernel.6.cloned.1.call-start
scs
__scs_entry_jumppad:
0x0: {  	(pc) =	sbr.rel $0x88, $3  }
0x1: {  	(tag) =	ssettag $0x0;
	lr =	simm.s32 $0x1  }
0x2: {  	[smem:$0x3F97] =	sst lr;
	_ =	strace $0xD0000000  }
0x3: {  	_ = 	snop  }
0x4: {  	_ = 	snop  }
0x5: {  	_ = 	snop  }
0x6: {  	_ = 	snop  }
0x7: {  	_ = 	snop  }
__scs_overlays_trampoline_lowered:
0x8: {  	[smem:$0x3FA6] =	sst s0  }
0x9: {  	[smem:$0x3FA7] =	sst s1  }
0xa: {  	[smem:$0x3FA8] =	sst s2  }
0xb: {  	[smem:$0x3FA9] =	sst s3  }
0xc: {  	[smem:$0x3FAA] =	sst s4  }
0xd: {  	[smem:$0x3FAB] =	sst s5  }
0xe: {  	[smem:$0x3FAC] =	sst s6  }
0xf: {  	[smem:$0x3FAD] =	sst s7  }
0x10: {  	[smem:$0x3FAE] =	sst s8  }
0x11: {  	[smem:$0x3FAF] =	sst s9;
	s0 =	simm.s32 @!p0 $0x0  }
0x12: {  	s1 =	sld [smem:$0x3F95];
	s0 =	simm.s32 @p0 $0x1  }
0x13: {  	[smem:$0x3FB0] =	sst s0;
	s0 =	simm.s32 @!p1 $0x0  }
0x14: {  	s2 =	sld [smem:$0x3F94];
	s0 =	simm.s32 @p1 $0x1  }
0x15: {  	[smem:$0x3FB1] =	sst s0;
	s0 =	simm.s32 @!p2 $0x0  }
0x16: {  	s3 =	sld [smem:$0x3FDB];
	s0 =	simm.s32 @p2 $0x1  }
0x17: {  	s4 =	simm.s32 $0x1BF5;
	[smem:$0x3FB3] =	sst s0  }
0x18: {  	s0 =	sld [smem:$0x3F96];
	_ =	swait.ge [sflag:s4], $0x0  }
0x19: {  	s7 =	sld [smem:$0x3F97]  }
0x1a: {  	s8 =	sadd.s32 $0xFFFFE003, lr  }
0x1b: {  	s9 =	sadd.s32 $0xFFFFFEF7, lr;
	s5 =	simm.s32 $0xFFFFFFFF;
	p2 =	slt.u32 s8, $0xFFFFF086  }
0x1c: {  	p1 =	slt.u32 s9, $0xF7A;
	s5 =	simm.s32 @!p2 $0x0  }
0x1d: {  	s5 =	simm.s32 @p1 $0x1;
	p0 =	seq.s32 s7, s2  }
0x1e: {  	s7 =	smul.u32 @!p0 $0xF7A, s2;
	p2 =	seq.s32 @!p0 s5, $0x0  }
0x1f: {  	s9 =	smul.u32 $0xF7A, s1;
	s8 =	simm.s32 @!p0 $0x1BF5;
	p2 =	por !p2, p0  }
0x20: {  	[sflag:s8] =	ssyncset.s32 @!p0 $0xFFFFF086;
	s6 =	sadd.s32 @!p0 s3, s7;
	s7 =	simm.s32 @!p0 $0x108  }
0x21: {  	s3 =	sadd.s32 s3, s9;
	s6 =	sadd.s32 @!p0 $0x88, s6;
	s7 =	simm.s32 @p2 $0x1082  }
0x22: {  	[simem:s7], [sflag:s8] =	dma.local @!p0 [hbm:s6], $0xF7A  }
0x23: {  	s9 =	sor.u32 $0xD0000000, s2;
	s6 =	simm.s32 $0x108;
	_ =	swait.ge @!p0 [sflag:s8], $0x0  }
0x24: {  	s3 =	sadd.s32 $0x88, s3;
	s6 =	simm.s32 @!p1 $0x1082;
	[sflag:s4] =	ssyncset.s32 $0xFFFFF086  }
0x25: {  	[simem:s6], [sflag:s4] =	dma.local [hbm:s3], $0xF7A  }
0x26: {  	[smem:$0x3F97] =	sst s1;
	(tag) =	ssettag s2;
	_ =	strace s9  }
0x27: {  	s1 =	sld [smem:$0x3FA7]  }
0x28: {  	s2 =	sld [smem:$0x3FA8]  }
0x29: {  	s4 =	sld [smem:$0x3FAA]  }
0x2a: {  	p0 =	seq.s32 s5, $0x0;
	s5 =	sld [smem:$0x3FAB]  }
0x2b: {  	s6 =	sld [smem:$0x3FAC]  }
0x2c: {  	s7 =	sld [smem:$0x3FAD]  }
0x2d: {  	s3 =	simm.s32 $0x108;
	s8 =	sld [smem:$0x3FAE]  }
0x2e: {  	s3 =	simm.s32 @!p0 $0x1082;
	s9 =	sld [smem:$0x3FAF]  }
0x2f: {  	lr =	sadd.s32 s0, s3;
	s0 =	sld [smem:$0x3FA6]  }
0x30: {  	s3 =	sld [smem:$0x3FA9]  }
0x31: {  	[smem:$0x3FB2] =	sst s10  }
0x32: {  	s10 =	sld [smem:$0x3FB0];
	_ =	sdelay $0x3  }
0x33: {  	p0 =	seq.s32 s10, $0x1;
	s10 =	sld [smem:$0x3FB2];
	_ =	sdelay $0x3  }
0x34: {  	[smem:$0x3FB2] =	sst s10  }
0x35: {  	s10 =	sld [smem:$0x3FB1];
	_ =	sdelay $0x3  }
0x36: {  	p1 =	seq.s32 s10, $0x1;
	s10 =	sld [smem:$0x3FB2];
	_ =	sdelay $0x3  }
0x37: {  	[smem:$0x3FB2] =	sst s10  }
0x38: {  	s10 =	sld [smem:$0x3FB3]  }
0x39: {  	_ = 	snop;
	(pc) =	sbr.ind lr, $3  }
0x3a: {  	_ = 	snop  }
0x3b: {  	_ = 	snop  }
0x3c: {  	p2 =	seq.s32 s10, $0x1;
	s10 =	sld [smem:$0x3FB2]  }
0x3d: {  	_ =	shalt  }
0x3e: {  	_ =	shalt  }
0x3f: {  	_ =	shalt  }
0x40: {  	_ =	shalt  }
0x41: {  	_ =	shalt  }
0x42: {  	_ =	shalt  }
0x43: {  	_ =	shalt  }
0x44: {  	_ =	shalt  }
0x45: {  	_ =	shalt  }
0x46: {  	_ =	shalt  }
0x47: {  	_ =	shalt  }
0x48: {  	_ =	shalt  }
0x49: {  	_ =	shalt  }
0x4a: {  	_ =	shalt  }
0x4b: {  	_ =	shalt  }
0x4c: {  	_ =	shalt  }
0x4d: {  	_ =	shalt  }
0x4e: {  	_ =	shalt  }
0x4f: {  	_ =	shalt  }
0x50: {  	_ =	shalt  }
0x51: {  	_ =	shalt  }
0x52: {  	_ =	shalt  }
0x53: {  	_ =	shalt  }
0x54: {  	_ =	shalt  }
0x55: {  	_ =	shalt  }
0x56: {  	_ =	shalt  }
0x57: {  	_ =	shalt  }
0x58: {  	_ =	shalt  }
0x59: {  	_ =	shalt  }
0x5a: {  	_ =	shalt  }
0x5b: {  	_ =	shalt  }
0x5c: {  	_ =	shalt  }
0x5d: {  	_ =	shalt  }
0x5e: {  	_ =	shalt  }
0x5f: {  	_ =	shalt  }
0x60: {  	_ =	shalt  }
0x61: {  	_ =	shalt  }
0x62: {  	_ =	shalt  }
0x63: {  	_ =	shalt  }
0x64: {  	_ =	shalt  }
0x65: {  	_ =	shalt  }
0x66: {  	_ =	shalt  }
0x67: {  	_ =	shalt  }
0x68: {  	_ =	shalt  }
0x69: {  	_ =	shalt  }
0x6a: {  	_ =	shalt  }
0x6b: {  	_ =	shalt  }
0x6c: {  	_ =	shalt  }
0x6d: {  	_ =	shalt  }
0x6e: {  	_ =	shalt  }
0x6f: {  	_ =	shalt  }
0x70: {  	_ =	shalt  }
0x71: {  	_ =	shalt  }
0x72: {  	_ =	shalt  }
0x73: {  	_ =	shalt  }
0x74: {  	_ =	shalt  }
0x75: {  	_ =	shalt  }
0x76: {  	_ =	shalt  }
0x77: {  	_ =	shalt  }
0x78: {  	_ =	shalt  }
0x79: {  	_ =	shalt  }
0x7a: {  	_ =	shalt  }
0x7b: {  	_ =	shalt  }
0x7c: {  	_ =	shalt  }
0x7d: {  	_ =	shalt  }
0x7e: {  	_ =	shalt  }
0x7f: {  	_ =	shalt  }
0x80: {  	_ =	shalt  }
0x81: {  	_ =	shalt  }
0x82: {  	_ =	shalt  }
0x83: {  	_ =	shalt  }
0x84: {  	_ =	shalt  }
0x85: {  	_ =	shalt  }
0x86: {  	_ =	shalt  }
0x87: {  	_ =	shalt  }
.Lfunc_end0:
.L_simem_size_0:
called_computation.1_lowered:
.L_overlay_start_0:
0x88: {  	s2 =	sld [smem:$0x3FD9]  }
0x89: {  	s3 =	sld [smem:$0x3FFE];
	_ =	sdelay $0x1  }
0x8a: {  	s1 =	srdreg.scid  }
0x8b: {  	s0 =	sand.u32 $0x1, s1  }
0x8c: {  	s16 =	sshll.u32 s0, $0xA;
	s2 =	sadd.s32 s3, s2  }
0x8d: {  	s2 =	sadd.s32 s2, s16  }
0x8e: {  	[smem:$0x3FBE] =	sst s2  }
0x8f: {  	_ = 	snop  }
0x90: {  	(tm) =	ssettm $0x1  }
0x91: {  	s17 =	sld [smem:$0x3FFB];
	_ =	sdelay $0x3  }
0x92: {  	_ =	strace s17  }
0x93: {  	s2 =	sld [smem:$0x3FFC];
	_ =	sdelay $0x3  }
0x94: {  	_ =	strace s2  }
0x95: {  	s2 =	sld [smem:$0x3FFD];
	_ =	sdelay $0x3  }
0x96: {  	_ =	strace s2  }
0x97: {  	_ =	strace $0x8FFFFFFF  }
0x98: {  	s18 =	sld [smem:$0x3FDB];
	_ =	sdelay $0x1  }
0x99: {  	s19 =	simm.s32 $_scs_section_size  }
0x9a: {  	s4 =	simm.s32 $_size__tile_overlayer_lowered;
	s5 =	simm.s32 $_tile_overlayer_lowered  }
0x9b: {  	s22 =	simm.s32 $0x1BFF;
	s21 =	sshll.u32 s5, $0x1;
	s2 =	sadd.s32 s19, s18  }
0x9c: {  	s6 =	simm.s32 $0x0;
	s20 =	sshll.u32 s4, $0x1;
	s4 =	sadd.s32 s21, s2  }
0x9d: {  	[timem:s6], [sflag:s22] =	dma.local [hbm:s4], s20  }
0x9e: {  	_ =	swait.ge [sflag:s22], s20  }
0x9f: {  	s3 =	ssub.s32 $0x0, s20;
	[sflag:s22] =	ssyncset.done $0x0  }
0xa0: {  	[sflag:s22] =	ssyncadd.s32 s3;
	_ =	sdelay $0x1  }
0xa1: {  	s23 =	simm.s32 $0x1B8B  }
0xa2: {  	_ =	swait.ge [sflag:s23], $0x1  }
0xa3: {  	[sflag:s23] =	ssyncset.done $0x0  }
0xa4: {  	s25 =	simm.s32 $0x1B8E;
	s24 =	sld [smem:$0x3FFE];
	[sflag:s23] =	ssyncadd.s32 $0xFFFFFFFF  }
0xa5: {  	s26 =	simm.s32 $execute0_lowered;
	[smem:$0x3FD2] =	sst s25  }
0xa6: {  	s4 =	sshll.u32 s26, $0x1;
	_ =	strace $0x80000049;
	[dreg:$0x1] =	wrdreg $0xFFFFFFFF  }
0xa7: {  	s28 =	simm.s32 $_size_execute0_lowered;
	s2 =	sadd.s32 s2, s4;
	[dreg:$0x0] =	wrdreg $0x0  }
0xa8: {  	s4 =	sshll.u32 s28, $0x1;
	[dreg:$0x2] =	wrdreg s2  }
0xa9: {  	[dreg:$0x3] =	wrdreg s4  }
0xaa: {  	[dreg:$0x4] =	wrdreg $0xC0  }
0xab: {  	_ =	task [dreg:s6], $0x5FFFF  }
0xac: {  	[dreg:$0x1] =	wrdreg $0xFFFFFFFF  }
0xad: {  	[dreg:$0x0] =	wrdreg $0x60  }
0xae: {  	[dreg:$0x2] =	wrdreg s24  }
0xaf: {  	[dreg:$0x3] =	wrdreg $0x9  }
0xb0: {  	_ =	task.clear_ibuf [dreg:s6], $0x4FFFF;
	_ =	strace $0x90000049  }
0xb1: {  	s29 =	simm.s32 $0x9;
	_ =	strace $0x8000004B  }
0xb2: {  	_ =	swait.ge [sflag:s29], $0x1  }
0xb3: {  	[sflag:s29] =	ssyncadd.s32 $0xFFFFFFFF  }
0xb4: {  	_ =	strace $0x9000004B  }
0xb5: {  	_ =	sfence  }
0xb6: {  	s30 =	sld [smem:$0x0];
	_ =	sdelay $0x2  }
0xb7: {  	s31 =	sshll.u32 s1, $0xD;
	s1 =	sshrl.u32 s1, $0x2  }
0xb8: {  	s3 =	sand.u32 $0x4000, s31;
	s1 =	sadd.s32 s1, s30  }
0xb9: {  	s0 =	sor.u32 s3, s0;
	s1 =	sshll.u32 s1, $0x11  }
0xba: {  	s0 =	sor.u32 s1, s0  }
0xbb: {  	s0 =	sadd.s32 $0x8F2B, s0  }
0xbc: {  	[sflag:s0] =	ssyncadd.remote.s32 $0x1  }
0xbd: {  	_ =	sfence.sel $0xFFFF  }
0xbe: {  	[dreg:$0x0] =	wrdreg $0xFFFFFFFF;
	(pc) =	sbr.abs _section_cstart, $3  }
0xbf: {  	[dreg:$0x1] =	wrdreg $0xFFFFFFFF  }
0xc0: {  	_ =	task.clear_ibuf [dreg:s6], $0x2FFFF;
	_ =	strace $0x9FFFFFFF  }
0xc1: {  	(tm) =	ssettm $0x7FFFFFFF  }
tec
execute0_lowered:
.L_overlay_start_1:
0x0: {  	(tag) =	ssettag $0x1  }
0x1: {  	s0 =	rddreg [dreg:$0x0];
	s9 =	stileid.u32  }
0x2: {  	s1 =	srdreg.scid;
	s2 =	simm.s32 $0x0;
	s10 =	simm.s32 $0x80  }
0x3: {  	s11 =	simm.s32 $0x4000;
	s12 =	simm.s32 $0x4400;
	s14 =	simm.s32 $0x4800  }
0x4: {  	s15 =	simm.s32 $0x180;
	s16 =	simm.s32 $0x4C00;
	s17 =	simm.s32 $0x5000  }
0x5: {  	s18 =	simm.s32 $0x5400;
	s19 =	simm.s32 $0x5800;
	s20 =	simm.s32 $0x5C00  }
0x6: {  	s21 =	simm.s32 $0x1;
	s22 =	simm.s32 $0x2;
	s23 =	simm.s32 $0x3E00  }
0x7: {  	s24 =	simm.s32 $0x3E80;
	s25 =	simm.s32 $0x3F00;
	s26 =	simm.s32 $0x3F80  }
0x8: {  	s28 =	simm.s32 $0x0;
	s1 =	sand.u32 $0x1, s1;
	s3 =	sshll.u32 s9, $0x1  }
0x9: {  	[smem:$0x7FF] =	sst s2;
	s4 =	sshll.u32 s9, $0xB;
	s31 =	sshll.u32 s9, $0xF  }
0xa: {  	s9 =	simm.s32 $0x3;
	s3 =	sor.u32 s1, s3;
	_ =	strace $0x8000004A  }
0xb: {  	s4 =	sand.u32 $0x4000, s4;
	s6 =	ssub.s32 $0x2, s1;
	s1 =	sshll.u32 s1, $0xE  }
0xc: {  	s5 =	sshll.u32 s3, $0xB;
	s4 =	sadd.s32 s4, s0;
	s7 =	sshrl.u32 s6, $0x1  }
0xd: {  	s8 =	sshll.u32 s3, $0xE;
	s5 =	sadd.s32 s5, s0;
	s0 =	sadd.s32 $0xA600, s0  }
0xe: {  	s7 =	ssub.s32 s6, s7;
	s4 =	sadd.s32 $0x2600, s4;
	s3 =	sadd.s32 $0x102600, s5  }
0xf: {  	s30 =	sadd.s32 s8, s0;
	s0 =	sadd.s32 s31, s0;
	s7 =	smax.u32 s7, $0x1  }
0x10: {  	s5 =	sadd.s32 $0x3C00, s30;
	s6 =	sadd.s32 $0x3E00, s30;
	s8 =	sadd.s32 s1, s0  }
.LBB2_1:
0x11: {  	[tilespmem:s2], [sflag:$0x3] =	stream.linear.gather [hbm4b:s3+s2], $0x4000, $0x38;
	[tilespmem:$0x6000] =	vst v63  }
0x12: {  	_ =	swait.ge [sflag:s9], $0x4000  }
0x13: {  	[sflag:s9] =	ssyncset.done $0x0  }
0x14: {  	[sflag:s9] =	ssyncadd.s32 $0xFFFFC000  }
0x15: {  	[tilespmem:s11], [sflag:$0x1] =	stream.indirect.gather [hbm4b:s4+s10], $0x8, s2, s10, $0xb8;
	[tilespmem:$0x6000] =	vst v63  }
0x16: {  	_ = 	snop  }
0x17: {  	[tilespmem:s12], [sflag:$0x1] =	stream.indirect.gather [hbm4b:s4+s10], $0x8, s10, s10, $0xb8;
	[tilespmem:$0x6000] =	vst v63  }
0x18: {  	s0 =	simm.s32 $0x100  }
0x19: {  	[tilespmem:s14], [sflag:$0x1] =	stream.indirect.gather [hbm4b:s4+s10], $0x8, s0, s10, $0xb8;
	[tilespmem:$0x6000] =	vst v63  }
0x1a: {  	_ = 	snop  }
0x1b: {  	[tilespmem:s16], [sflag:$0x1] =	stream.indirect.gather [hbm4b:s4+s10], $0x8, s15, s10, $0xb8;
	[tilespmem:$0x6000] =	vst v63  }
0x1c: {  	s13 =	simm.s32 $0x200  }
0x1d: {  	[tilespmem:s17], [sflag:$0x2] =	stream.indirect.gather [hbm4b:s4+s10], $0x8, s13, s10, $0xb8;
	[tilespmem:$0x6000] =	vst v63  }
0x1e: {  	s1 =	simm.s32 $0x280  }
0x1f: {  	[tilespmem:s18], [sflag:$0x2] =	stream.indirect.gather [hbm4b:s4+s10], $0x8, s1, s10, $0xb8;
	[tilespmem:$0x6000] =	vst v63  }
0x20: {  	s13 =	simm.s32 $0x300  }
0x21: {  	[tilespmem:s19], [sflag:$0x2] =	stream.indirect.gather [hbm4b:s4+s10], $0x8, s13, s10, $0xb8;
	[tilespmem:$0x6000] =	vst v63  }
0x22: {  	s1 =	simm.s32 $0x380  }
0x23: {  	[tilespmem:s20], [sflag:$0x2] =	stream.indirect.gather [hbm4b:s4+s10], $0x8, s1, s10, $0xb8;
	[tilespmem:$0x6000] =	vst v63  }
0x24: {  	_ =	swait.ge [sflag:s21], $0x400  }
0x25: {  	[sflag:s21] =	ssyncset.done $0x0  }
0x26: {  	[sflag:s21] =	ssyncadd.s32 $0xFFFFFC00  }
0x27: {  	_ =	swait.ge [sflag:s21], $0x400  }
0x28: {  	[sflag:s21] =	ssyncset.done $0x0  }
0x29: {  	[sflag:s21] =	ssyncadd.s32 $0xFFFFFC00  }
0x2a: {  	_ =	swait.ge [sflag:s21], $0x400  }
0x2b: {  	[sflag:s21] =	ssyncset.done $0x0  }
0x2c: {  	[sflag:s21] =	ssyncadd.s32 $0xFFFFFC00  }
0x2d: {  	_ =	swait.ge [sflag:s21], $0x400  }
0x2e: {  	[sflag:s21] =	ssyncset.done $0x0  }
0x2f: {  	[sflag:s21] =	ssyncadd.s32 $0xFFFFFC00  }
0x30: {  	[hbm4b:s8+s2] =	stream.linear.scatter [tilespmem:s11], [sflag:$0x3], $0x1000, $0x38;
	[tilespmem:$0x6000] =	vst v63  }
0x31: {  	_ =	swait.ge [sflag:s9], $0x1000  }
0x32: {  	[sflag:s9] =	ssyncset.done $0x0  }
0x33: {  	s13 =	simm.s32 $0x400;
	[sflag:s9] =	ssyncadd.s32 $0xFFFFF000  }
0x34: {  	[tilespmem:s11], [sflag:$0x1] =	stream.indirect.gather [hbm4b:s4+s10], $0x8, s13, s10, $0xb8;
	[tilespmem:$0x6000] =	vst v63  }
0x35: {  	s1 =	simm.s32 $0x480  }
0x36: {  	[tilespmem:s12], [sflag:$0x1] =	stream.indirect.gather [hbm4b:s4+s10], $0x8, s1, s10, $0xb8;
	[tilespmem:$0x6000] =	vst v63  }
0x37: {  	s13 =	simm.s32 $0x500  }
0x38: {  	[tilespmem:s14], [sflag:$0x1] =	stream.indirect.gather [hbm4b:s4+s10], $0x8, s13, s10, $0xb8;
	[tilespmem:$0x6000] =	vst v63  }
0x39: {  	s1 =	simm.s32 $0x580  }
0x3a: {  	[tilespmem:s16], [sflag:$0x1] =	stream.indirect.gather [hbm4b:s4+s10], $0x8, s1, s10, $0xb8;
	[tilespmem:$0x6000] =	vst v63  }
0x3b: {  	_ =	swait.ge [sflag:s22], $0x400  }
0x3c: {  	[sflag:s22] =	ssyncset.done $0x0  }
0x3d: {  	[sflag:s22] =	ssyncadd.s32 $0xFFFFFC00  }
0x3e: {  	_ =	swait.ge [sflag:s22], $0x400  }
0x3f: {  	[sflag:s22] =	ssyncset.done $0x0  }
0x40: {  	[sflag:s22] =	ssyncadd.s32 $0xFFFFFC00  }
0x41: {  	_ =	swait.ge [sflag:s22], $0x400  }
0x42: {  	[sflag:s22] =	ssyncset.done $0x0  }
0x43: {  	[sflag:s22] =	ssyncadd.s32 $0xFFFFFC00  }
0x44: {  	_ =	swait.ge [sflag:s22], $0x400  }
0x45: {  	[sflag:s22] =	ssyncset.done $0x0  }
0x46: {  	s13 =	sadd.s32 $0x200, s8;
	[sflag:s22] =	ssyncadd.s32 $0xFFFFFC00  }
0x47: {  	[hbm4b:s13+s2] =	stream.linear.scatter [tilespmem:s17], [sflag:$0x3], $0x1000, $0x38;
	[tilespmem:$0x6000] =	vst v63  }
0x48: {  	s31 =	simm.s32 $0x2000;
	_ =	swait.ge [sflag:s9], $0x1000  }
0x49: {  	s30 =	simm.s32 $0x400;
	s29 =	sadd.s32 $0x400, s8;
	[sflag:s9] =	ssyncset.done $0x0  }
.LBB2_2:
0x4a: {  	s13 =	sadd.s32 $0x200, s30  }
0x4b: {  	[sflag:s9] =	ssyncadd.s32 $0xFFFFF000;
	s0 =	smov.u32 s31;
	s1 =	sadd.s32 $0x1000, s31  }
0x4c: {  	[tilespmem:s17], [sflag:$0x2] =	stream.indirect.gather [hbm4b:s4+s10], $0x8, s13, s10, $0xb8;
	[tilespmem:$0x6000] =	vst v63  }
0x4d: {  	p0 =	sne.s32 s31, $0xE000;
	s13 =	sadd.s32 $0x280, s30  }
0x4e: {  	[tilespmem:s18], [sflag:$0x2] =	stream.indirect.gather [hbm4b:s4+s10], $0x8, s13, s10, $0xb8;
	[tilespmem:$0x6000] =	vst v63  }
0x4f: {  	s13 =	sadd.s32 $0x300, s30  }
0x50: {  	[tilespmem:s19], [sflag:$0x2] =	stream.indirect.gather [hbm4b:s4+s10], $0x8, s13, s10, $0xb8;
	[tilespmem:$0x6000] =	vst v63  }
0x51: {  	s13 =	sadd.s32 $0x380, s30  }
0x52: {  	[tilespmem:s20], [sflag:$0x2] =	stream.indirect.gather [hbm4b:s4+s10], $0x8, s13, s10, $0xb8;
	[tilespmem:$0x6000] =	vst v63  }
0x53: {  	_ =	swait.ge [sflag:s21], $0x400  }
0x54: {  	[sflag:s21] =	ssyncset.done $0x0  }
0x55: {  	[sflag:s21] =	ssyncadd.s32 $0xFFFFFC00  }
0x56: {  	_ =	swait.ge [sflag:s21], $0x400  }
0x57: {  	[sflag:s21] =	ssyncset.done $0x0  }
0x58: {  	[sflag:s21] =	ssyncadd.s32 $0xFFFFFC00  }
0x59: {  	_ =	swait.ge [sflag:s21], $0x400  }
0x5a: {  	[sflag:s21] =	ssyncset.done $0x0  }
0x5b: {  	[sflag:s21] =	ssyncadd.s32 $0xFFFFFC00  }
0x5c: {  	_ =	swait.ge [sflag:s21], $0x400  }
0x5d: {  	[sflag:s21] =	ssyncset.done $0x0  }
0x5e: {  	[sflag:s21] =	ssyncadd.s32 $0xFFFFFC00  }
0x5f: {  	[hbm4b:s29+s2] =	stream.linear.scatter [tilespmem:s11], [sflag:$0x3], $0x1000, $0x38;
	[tilespmem:$0x6000] =	vst v63  }
0x60: {  	_ =	swait.ge [sflag:s9], $0x1000  }
0x61: {  	[sflag:s9] =	ssyncset.done $0x0  }
0x62: {  	s13 =	sadd.s32 $0x400, s30;
	[sflag:s9] =	ssyncadd.s32 $0xFFFFF000  }
0x63: {  	[tilespmem:s11], [sflag:$0x1] =	stream.indirect.gather [hbm4b:s4+s10], $0x8, s13, s10, $0xb8;
	[tilespmem:$0x6000] =	vst v63  }
0x64: {  	s13 =	sadd.s32 $0x480, s30  }
0x65: {  	[tilespmem:s12], [sflag:$0x1] =	stream.indirect.gather [hbm4b:s4+s10], $0x8, s13, s10, $0xb8;
	[tilespmem:$0x6000] =	vst v63  }
0x66: {  	s13 =	sadd.s32 $0x500, s30  }
0x67: {  	[tilespmem:s14], [sflag:$0x1] =	stream.indirect.gather [hbm4b:s4+s10], $0x8, s13, s10, $0xb8;
	[tilespmem:$0x6000] =	vst v63  }
0x68: {  	s13 =	sadd.s32 $0x580, s30  }
0x69: {  	[tilespmem:s16], [sflag:$0x1] =	stream.indirect.gather [hbm4b:s4+s10], $0x8, s13, s10, $0xb8;
	[tilespmem:$0x6000] =	vst v63  }
0x6a: {  	_ =	swait.ge [sflag:s22], $0x400  }
0x6b: {  	[sflag:s22] =	ssyncset.done $0x0  }
0x6c: {  	[sflag:s22] =	ssyncadd.s32 $0xFFFFFC00  }
0x6d: {  	_ =	swait.ge [sflag:s22], $0x400  }
0x6e: {  	[sflag:s22] =	ssyncset.done $0x0  }
0x6f: {  	[sflag:s22] =	ssyncadd.s32 $0xFFFFFC00  }
0x70: {  	_ =	swait.ge [sflag:s22], $0x400  }
0x71: {  	[sflag:s22] =	ssyncset.done $0x0  }
0x72: {  	[sflag:s22] =	ssyncadd.s32 $0xFFFFFC00  }
0x73: {  	_ =	swait.ge [sflag:s22], $0x400  }
.Ltmp0:
0x74: {  	[sflag:s22] =	ssyncset.done $0x0;
	(pc) =	sbr.rel @p0 .LBB2_2-.Ltmp0, $4  }
0x75: {  	s13 =	sadd.s32 $0x200, s29;
	[sflag:s22] =	ssyncadd.s32 $0xFFFFFC00  }
0x76: {  	[hbm4b:s13+s2] =	stream.linear.scatter [tilespmem:s17], [sflag:$0x3], $0x1000, $0x38;
	[tilespmem:$0x6000] =	vst v63  }
0x77: {  	s31 =	smov.u32 s1;
	_ =	swait.ge [sflag:s9], $0x1000  }
0x78: {  	s30 =	sshra.s32 s0, $0x2;
	s29 =	sadd.s32 $0x400, s29;
	[sflag:s9] =	ssyncset.done $0x0  }
0x79: {  	s0 =	sadd.s32 $0x200, s30;
	[sflag:s9] =	ssyncadd.s32 $0xFFFFF000  }
0x7a: {  	[tilespmem:s17], [sflag:$0x2] =	stream.indirect.gather [hbm4b:s4+s10], $0x8, s0, s10, $0xb8;
	[tilespmem:$0x6000] =	vst v63  }
0x7b: {  	s31 =	sadd.s32 $0x280, s30  }
0x7c: {  	[tilespmem:s18], [sflag:$0x2] =	stream.indirect.gather [hbm4b:s4+s10], $0x8, s31, s10, $0xb8;
	[tilespmem:$0x6000] =	vst v63  }
0x7d: {  	s1 =	sadd.s32 $0x300, s30  }
0x7e: {  	[tilespmem:s19], [sflag:$0x2] =	stream.indirect.gather [hbm4b:s4+s10], $0x8, s1, s10, $0xb8;
	[tilespmem:$0x6000] =	vst v63  }
0x7f: {  	s13 =	sadd.s32 $0x380, s30  }
0x80: {  	[tilespmem:s20], [sflag:$0x2] =	stream.indirect.gather [hbm4b:s4+s10], $0x8, s13, s10, $0xb8;
	[tilespmem:$0x6000] =	vst v63  }
0x81: {  	_ =	swait.ge [sflag:s21], $0x400  }
0x82: {  	[sflag:s21] =	ssyncset.done $0x0  }
0x83: {  	[sflag:s21] =	ssyncadd.s32 $0xFFFFFC00  }
0x84: {  	_ =	swait.ge [sflag:s21], $0x400  }
0x85: {  	[sflag:s21] =	ssyncset.done $0x0  }
0x86: {  	[sflag:s21] =	ssyncadd.s32 $0xFFFFFC00  }
0x87: {  	_ =	swait.ge [sflag:s21], $0x400  }
0x88: {  	[sflag:s21] =	ssyncset.done $0x0  }
0x89: {  	[sflag:s21] =	ssyncadd.s32 $0xFFFFFC00  }
0x8a: {  	_ =	swait.ge [sflag:s21], $0x400  }
0x8b: {  	[sflag:s21] =	ssyncset.done $0x0  }
0x8c: {  	[sflag:s21] =	ssyncadd.s32 $0xFFFFFC00  }
0x8d: {  	[hbm4b:s29+s2] =	stream.linear.scatter [tilespmem:s11], [sflag:$0x3], $0x1000, $0x38;
	[tilespmem:$0x6000] =	vst v63  }
0x8e: {  	_ =	swait.ge [sflag:s9], $0x1000  }
0x8f: {  	[sflag:s9] =	ssyncset.done $0x0  }
0x90: {  	s31 =	sadd.s32 $0x400, s30;
	[sflag:s9] =	ssyncadd.s32 $0xFFFFF000  }
0x91: {  	[tilespmem:s11], [sflag:$0x1] =	stream.indirect.gather [hbm4b:s4+s10], $0x8, s31, s10, $0xb8;
	[tilespmem:$0x6000] =	vst v63  }
0x92: {  	s1 =	sadd.s32 $0x480, s30  }
0x93: {  	[tilespmem:s12], [sflag:$0x1] =	stream.indirect.gather [hbm4b:s4+s10], $0x8, s1, s10, $0xb8;
	[tilespmem:$0x6000] =	vst v63  }
0x94: {  	s13 =	sadd.s32 $0x500, s30  }
0x95: {  	[tilespmem:s14], [sflag:$0x1] =	stream.indirect.gather [hbm4b:s4+s10], $0x8, s13, s10, $0xb8;
	[tilespmem:$0x6000] =	vst v63  }
0x96: {  	s30 =	sadd.s32 $0x580, s30  }
0x97: {  	[tilespmem:s16], [sflag:$0x1] =	stream.indirect.gather [hbm4b:s4+s10], $0x8, s30, s10, $0xb8;
	[tilespmem:$0x6000] =	vst v63  }
0x98: {  	_ =	swait.ge [sflag:s22], $0x400  }
0x99: {  	[sflag:s22] =	ssyncset.done $0x0  }
0x9a: {  	[sflag:s22] =	ssyncadd.s32 $0xFFFFFC00  }
0x9b: {  	_ =	swait.ge [sflag:s22], $0x400  }
0x9c: {  	[sflag:s22] =	ssyncset.done $0x0  }
0x9d: {  	[sflag:s22] =	ssyncadd.s32 $0xFFFFFC00  }
0x9e: {  	_ =	swait.ge [sflag:s22], $0x400  }
0x9f: {  	[sflag:s22] =	ssyncset.done $0x0  }
0xa0: {  	[sflag:s22] =	ssyncadd.s32 $0xFFFFFC00  }
0xa1: {  	_ =	swait.ge [sflag:s22], $0x400  }
0xa2: {  	[sflag:s22] =	ssyncset.done $0x0  }
0xa3: {  	s31 =	sadd.s32 $0x200, s29;
	[sflag:s22] =	ssyncadd.s32 $0xFFFFFC00  }
0xa4: {  	[hbm4b:s31+s2] =	stream.linear.scatter [tilespmem:s17], [sflag:$0x3], $0x1000, $0x38;
	[tilespmem:$0x6000] =	vst v63  }
0xa5: {  	_ =	swait.ge [sflag:s9], $0x1000  }
0xa6: {  	[sflag:s9] =	ssyncset.done $0x0  }
0xa7: {  	[sflag:s9] =	ssyncadd.s32 $0xFFFFF000  }
0xa8: {  	[tilespmem:s17], [sflag:$0x2] =	stream.indirect.gather [hbm4b:s4+s10], $0x8, s23, s10, $0xb8;
	[tilespmem:$0x6000] =	vst v63  }
0xa9: {  	_ = 	snop  }
0xaa: {  	[tilespmem:s18], [sflag:$0x2] =	stream.indirect.gather [hbm4b:s4+s10], $0x8, s24, s10, $0xb8;
	[tilespmem:$0x6000] =	vst v63  }
0xab: {  	_ = 	snop  }
0xac: {  	[tilespmem:s19], [sflag:$0x2] =	stream.indirect.gather [hbm4b:s4+s10], $0x8, s25, s10, $0xb8;
	[tilespmem:$0x6000] =	vst v63  }
0xad: {  	_ = 	snop  }
0xae: {  	[tilespmem:s20], [sflag:$0x2] =	stream.indirect.gather [hbm4b:s4+s10], $0x8, s26, s10, $0xb8;
	[tilespmem:$0x6000] =	vst v63  }
0xaf: {  	_ =	swait.ge [sflag:s21], $0x400  }
0xb0: {  	[sflag:s21] =	ssyncset.done $0x0  }
0xb1: {  	[sflag:s21] =	ssyncadd.s32 $0xFFFFFC00  }
0xb2: {  	_ =	swait.ge [sflag:s21], $0x400  }
0xb3: {  	[sflag:s21] =	ssyncset.done $0x0  }
0xb4: {  	[sflag:s21] =	ssyncadd.s32 $0xFFFFFC00  }
0xb5: {  	_ =	swait.ge [sflag:s21], $0x400  }
0xb6: {  	[sflag:s21] =	ssyncset.done $0x0  }
0xb7: {  	[sflag:s21] =	ssyncadd.s32 $0xFFFFFC00  }
0xb8: {  	_ =	swait.ge [sflag:s21], $0x400  }
0xb9: {  	[sflag:s21] =	ssyncset.done $0x0  }
0xba: {  	[sflag:s21] =	ssyncadd.s32 $0xFFFFFC00  }
0xbb: {  	[hbm4b:s5+s2] =	stream.linear.scatter [tilespmem:s11], [sflag:$0x3], $0x1000, $0x38;
	[tilespmem:$0x6000] =	vst v63  }
0xbc: {  	_ =	swait.ge [sflag:s9], $0x1000  }
0xbd: {  	[sflag:s9] =	ssyncset.done $0x0  }
0xbe: {  	[sflag:s9] =	ssyncadd.s32 $0xFFFFF000  }
0xbf: {  	_ =	swait.ge [sflag:s22], $0x400  }
0xc0: {  	[sflag:s22] =	ssyncset.done $0x0  }
0xc1: {  	[sflag:s22] =	ssyncadd.s32 $0xFFFFFC00  }
0xc2: {  	_ =	swait.ge [sflag:s22], $0x400  }
0xc3: {  	[sflag:s22] =	ssyncset.done $0x0  }
0xc4: {  	[sflag:s22] =	ssyncadd.s32 $0xFFFFFC00  }
0xc5: {  	_ =	swait.ge [sflag:s22], $0x400  }
0xc6: {  	[sflag:s22] =	ssyncset.done $0x0  }
0xc7: {  	[sflag:s22] =	ssyncadd.s32 $0xFFFFFC00  }
0xc8: {  	s28 =	sadd.s32 $0x1, s28;
	_ =	swait.ge [sflag:s22], $0x400  }
0xc9: {  	p0 =	sne.s32 s28, s7;
	[sflag:s22] =	ssyncset.done $0x0  }
.Ltmp1:
0xca: {  	[sflag:s22] =	ssyncadd.s32 $0xFFFFFC00;
	(pc) =	sbr.rel @p0 .LBB2_1-.Ltmp1, $4  }
0xcb: {  	[hbm4b:s6+s2] =	stream.linear.scatter [tilespmem:s17], [sflag:$0x3], $0x1000, $0x38;
	[tilespmem:$0x6000] =	vst v63  }
0xcc: {  	_ =	swait.ge [sflag:s9], $0x1000  }
0xcd: {  	[sflag:s9] =	ssyncset.done $0x0  }
0xce: {  	[sflag:s9] =	ssyncadd.s32 $0xFFFFF000  }
0xcf: {  	_ =	sfence.sel $0x180000  }
0xd0: {  	[bflag:$0x0] =	sbarrier.arrive $0xFFFF  }
0xd1: {  	_ =	strace $0x9000004A  }
0xd2: {  	s0 =	stileid.u32;
	[bflag:$0x2] =	sbarrier.arrive $0xFFFF  }
0xd3: {  	p0 =	sne.s32 s0, $0x0;
	s0 =	rddreg [dreg:$0x1]  }
0xd4: {  	s0 =	sadd.s32 @!p0 $0x100000, s0  }
0xd5: {  	[sflag:s0] =	ssyncadd.tile.s32 @!p0 $0x1;
	_ =	shalt  }
.Lfunc_end2:
_tile_overlayer_lowered:
.L_overlay_start_2:
0xd6: {  	(tag) =	ssettag $0x2  }
0xd7: {  	s0 =	rddreg [dreg:$0x0];
	s2 =	stileid.u32  }
0xd8: {  	s1 =	rddreg [dreg:$0x1];
	p0 =	sne.s32 s2, $0x0  }
0xd9: {  	s3 =	rddreg [dreg:$0x2];
	[bflag:$0x3] =	sbarrier.arrive $0xFFFF;
	s2 =	simm.s32 @!p0 $0x1C03  }
0xda: {  	[timem:s3], [sflag:s2] =	dma.local @!p0 [hbm:s0], s1  }
0xdb: {  	s0 =	simm.s32 @!p0 $0x3  }
0xdc: {  	_ =	swait.ge @!p0 [sflag:s0], s1  }
0xdd: {  	s1 =	ssub.s32 @!p0 $0x0, s1;
	[sflag:s0] =	ssyncset.done @!p0 $0x0  }
0xde: {  	[sflag:s0] =	ssyncadd.s32 @!p0 s1  }
0xdf: {  	[bflag:$0x3] =	sbarrier.arrive $0xFFFF  }
0xe0: {  	_ =	shalt  }

// kernel: sparse-core-data-format-call.cloned.1.call-start
scs
called_computation_lowered:
.L_overlay_start_0:
0x0: {  	s2 =	sld [smem:$0x3FD9]  }
0x1: {  	s3 =	sld [smem:$0x3FFE];
	_ =	sdelay $0x1  }
0x2: {  	s1 =	srdreg.scid  }
0x3: {  	s0 =	sand.u32 $0x1, s1  }
0x4: {  	s18 =	sshll.u32 s0, $0xA;
	s2 =	sadd.s32 s3, s2  }
0x5: {  	s2 =	sadd.s32 s2, s18  }
0x6: {  	[smem:$0x3FBE] =	sst s2  }
0x7: {  	_ = 	snop  }
0x8: {  	s2 =	sld [smem:$0x3FC9];
	(tm) =	ssettm $0x1  }
0x9: {  	s19 =	sld [smem:$0x3FFB];
	_ =	sdelay $0x3  }
0xa: {  	_ =	strace s19  }
0xb: {  	s3 =	sld [smem:$0x3FFC];
	_ =	sdelay $0x3  }
0xc: {  	_ =	strace s3  }
0xd: {  	s3 =	sld [smem:$0x3FFD];
	_ =	sdelay $0x3  }
0xe: {  	_ =	strace s3  }
0xf: {  	_ =	strace $0x8FFFFFFF  }
0x10: {  	s20 =	sld [smem:$0x3FDB];
	_ =	sdelay $0x1  }
0x11: {  	s4 =	simm.s32 $_scs_section_size  }
0x12: {  	s5 =	simm.s32 $_size__tile_overlayer_lowered;
	s6 =	simm.s32 $_tile_overlayer_lowered  }
0x13: {  	s23 =	simm.s32 $0x1BFF;
	s22 =	sshll.u32 s6, $0x1;
	s3 =	sadd.s32 s4, s20  }
0x14: {  	s7 =	simm.s32 $0x0;
	s21 =	sshll.u32 s5, $0x1;
	s5 =	sadd.s32 s22, s3  }
0x15: {  	[timem:s7], [sflag:s23] =	dma.local [hbm:s5], s21  }
0x16: {  	_ =	swait.ge [sflag:s23], s21  }
0x17: {  	s4 =	ssub.s32 $0x0, s21;
	[sflag:s23] =	ssyncset.done $0x0  }
0x18: {  	[sflag:s23] =	ssyncadd.s32 s4;
	_ =	sdelay $0x1  }
0x19: {  	s24 =	simm.s32 $0x1B8B  }
0x1a: {  	_ =	swait.ge [sflag:s24], $0x1  }
0x1b: {  	[sflag:s24] =	ssyncset.done $0x0  }
0x1c: {  	s26 =	simm.s32 $0x1B8E;
	s25 =	sld [smem:$0x3FFE];
	[sflag:s24] =	ssyncadd.s32 $0xFFFFFFFF  }
0x1d: {  	s27 =	simm.s32 $execute0_lowered;
	[smem:$0x3FD2] =	sst s26  }
0x1e: {  	s5 =	sshll.u32 s27, $0x1;
	_ =	strace $0x80000046;
	[dreg:$0x1] =	wrdreg $0xFFFFFFFF  }
0x1f: {  	s28 =	simm.s32 $_size_execute0_lowered;
	s3 =	sadd.s32 s3, s5;
	[dreg:$0x0] =	wrdreg $0x0  }
0x20: {  	s5 =	sshll.u32 s28, $0x1;
	[dreg:$0x2] =	wrdreg s3  }
0x21: {  	[dreg:$0x3] =	wrdreg s5  }
0x22: {  	[dreg:$0x4] =	wrdreg $0xC0  }
0x23: {  	_ =	task [dreg:s7], $0x5FFFF  }
0x24: {  	[dreg:$0x1] =	wrdreg $0xFFFFFFFF  }
0x25: {  	[dreg:$0x0] =	wrdreg $0x60  }
0x26: {  	[dreg:$0x2] =	wrdreg s2  }
0x27: {  	[dreg:$0x3] =	wrdreg s25  }
0x28: {  	[dreg:$0x4] =	wrdreg $0x9  }
0x29: {  	_ =	task.clear_ibuf [dreg:s7], $0x5FFFF;
	_ =	strace $0x90000046  }
0x2a: {  	s29 =	simm.s32 $0x9;
	_ =	strace $0x80000048  }
0x2b: {  	_ =	swait.ge [sflag:s29], $0x1  }
0x2c: {  	[sflag:s29] =	ssyncadd.s32 $0xFFFFFFFF  }
0x2d: {  	_ =	strace $0x90000048  }
0x2e: {  	_ =	sfence  }
0x2f: {  	s30 =	sld [smem:$0x0];
	_ =	sdelay $0x2  }
0x30: {  	s31 =	sshll.u32 s1, $0xD;
	s1 =	sshrl.u32 s1, $0x2  }
0x31: {  	s3 =	sand.u32 $0x4000, s31;
	s1 =	sadd.s32 s1, s30  }
0x32: {  	s0 =	sor.u32 s3, s0;
	s1 =	sshll.u32 s1, $0x11  }
0x33: {  	s0 =	sor.u32 s1, s0  }
0x34: {  	s0 =	sadd.s32 $0x8F2B, s0  }
0x35: {  	[sflag:s0] =	ssyncadd.remote.s32 $0x1  }
0x36: {  	_ =	sfence.sel $0xFFFF  }
0x37: {  	[dreg:$0x0] =	wrdreg $0xFFFFFFFF;
	(pc) =	sbr.abs _section_cstart, $3  }
0x38: {  	[dreg:$0x1] =	wrdreg $0xFFFFFFFF  }
0x39: {  	_ =	task.clear_ibuf [dreg:s7], $0x2FFFF;
	_ =	strace $0x9FFFFFFF  }
0x3a: {  	(tm) =	ssettm $0x7FFFFFFF  }
0x3b: {  	_ =	shalt  }
tec
execute0_lowered:
.L_overlay_start_1:
0x0: {  	(tag) =	ssettag $0x1  }
0x1: {  	s0 =	stileid.u32  }
0x2: {  	s1 =	srdreg.scid;
	s3 =	rddreg [dreg:$0x0]  }
0x3: {  	s8 =	rddreg [dreg:$0x1];
	s2 =	sshll.u32 s0, $0x2;
	s1 =	sshll.u32 s1, $0x6  }
0x4: {  	s9 =	simm.s32 $0x2;
	s14 =	simm.s32 $0x0;
	s1 =	sor.u32 s2, s1  }
0x5: {  	s16 =	simm.s32 $0x0;
	s15 =	simm.s32 $0x0;
	s1 =	sand.u32 $0x78, s1  }
0x6: {  	s10 =	simm.s32 $0x0;
	s2 =	sand.u32 $0x1, s0;
	s4 =	ssub.s32 $0x100, s1  }
0x7: {  	s13 =	simm.s32 $0x0;
	s5 =	ssub.s32 $0x2, s2;
	s6 =	sand.u32 $0x78, s4  }
0x8: {  	s7 =	sshrl.u32 s5, $0x1;
	p0 =	sne.s32 s6, $0x0;
	s6 =	simm.s32 $0x1  }
0x9: {  	s5 =	sand.u32 $0x1, s5;
	s4 =	sshrl.u32 s4, $0x7;
	s6 =	simm.s32 @!p0 $0x0  }
.Ltmp0:
0xa: {  	s5 =	sadd.s32 s5, s7;
	s6 =	sadd.s32 s6, s4;
	(pc) =	sbr.rel .LBB1_1-.Ltmp0, $4  }
0xb: {  	s12 =	smov.u32 s2;
	s11 =	smov.u32 s1;
	s6 =	smul.u32 s6, s5  }
0xc: {  	s4 =	rddreg [dreg:$0x2];
	_ =	strace $0x80000047;
	s5 =	simm.s32 $0x1  }
0xd: {  	s7 =	sadd.s32 $0x2600, s8;
	[sflag:s5] =	ssyncpa.u1 $0x0;
	s6 =	sshll.u32 s6, $0x3  }
0xe: {  	[sflag:s9] =	ssyncpa.u1 $0x0;
	s9 =	simm.s32 $0x0;
	s8 =	sor.u32 $0x1, s6  }
.LBB1_7:
0xf: {  	s17 =	sadd.s32 $0x800, s10  }
0x10: {  	s14 =	sadd.s32 $0x80, s11;
	s18 =	smov.u32 s11;
	p1 =	sgt.s32 s17, $0x3FFF  }
0x11: {  	s18 =	smov.u32 @p1 s14  }
0x12: {  	s20 =	smov.u32 s12;
	s14 =	sadd.s32 $0x2, s12;
	p2 =	sgt.s32 s18, $0xFF  }
0x13: {  	s20 =	smov.u32 @p2 s14  }
0x14: {  	s17 =	simm.s32 @p1 $0x0;
	p1 =	sgt.s32 s20, $0x1  }
0x15: {  	p0 =	slt.u32 s13, $0x2;
	s20 =	smov.u32 @p1 s2;
	p1 =	sne.s32 s13, s8  }
.Ltmp1:
0x16: {  	s19 =	simm.s32 @!p0 $0x2;
	(pc) =	sbr.rel @!p1 .LBB1_8-.Ltmp1, $4  }
0x17: {  	s16 =	smov.u32 s11;
	s15 =	smov.u32 s12;
	_ =	swait.ge @!p0 [sflag:s19], $0x4000  }
0x18: {  	s9 =	sadd.s32 $0x4000, s9;
	[sflag:s19] =	ssyncset.done @!p0 $0x0;
	s18 =	smov.u32 @p2 s1  }
0x19: {  	s14 =	smov.u32 s10;
	[sflag:s19] =	ssyncadd.s32 @!p0 $0xFFFFC000;
	s10 =	smov.u32 s17  }
0x1a: {  	s11 =	smov.u32 s18;
	s13 =	sadd.s32 $0x1, s13;
	s12 =	smov.u32 s20  }
.LBB1_1:
0x1b: {  	p0 =	sge.u32 s13, s6  }
0x1c: {  	s31 =	sadd.s32 $0xFFFFFFFF, s13;
	s17 =	sxor.u32 @!p0 $0xFFFFFFFF, s13;
	s18 =	sshll.u32 @!p0 s12, $0x13  }
0x1d: {  	s19 =	sshll.u32 @!p0 s11, $0xB;
	s20 =	sshrl.u32 @!p0 s10, $0x3;
	s18 =	sadd.s32 @!p0 s3, s18  }
0x1e: {  	s17 =	sshll.u32 @!p0 s17, $0xE;
	s18 =	sadd.s32 @!p0 s19, s18;
	s19 =	sand.u32 @!p0 $0x7, s10  }
0x1f: {  	s20 =	sand.u32 @!p0 $0x7FF, s20;
	s17 =	sand.u32 @!p0 $0x4000, s17;
	s19 =	sshll.u32 @!p0 s19, $0x12  }
0x20: {  	s18 =	sadd.s32 @!p0 s20, s18;
	s20 =	simm.s32 @!p0 $0x4000;
	s19 =	sor.u32 @!p0 $0x800, s19  }
0x21: {  	[tilespmem:s17], [sflag:$0x1] =	stream.strided.gather @!p0 [hbm4b:s18+s19], $0x4000, s20, s19, $0x38;
	[tilespmem:$0x10000] =	vst v63  }
0x22: {  	p0 =	sge.u32 s31, s6  }
.Ltmp2:
0x23: {  	_ = 	snop;
	(pc) =	sbr.rel @p0 .LBB1_7-.Ltmp2, $1  }
0x24: {  	_ =	sdelay $0x3  }
0x25: {  	s17 =	sand.u32 $0x4000, s9  }
0x26: {  	_ =	swait.ge [sflag:s5], $0x4000;
	s20 =	sshll.u32 s13, $0xE;
	s18 =	sor.u32 $0x100, s17  }
0x27: {  	s19 =	sor.u32 $0x8800, s17;
	[sflag:s5] =	ssyncset.done $0x0;
	s31 =	sand.u32 $0x4000, s20  }
0x28: {  	s20 =	simm.s32 $0x0;
	[sflag:s5] =	ssyncadd.s32 $0xFFFFC000;
	s17 =	sor.u32 $0x8000, s31  }
.LBB1_3:
0x29: {  	v0 =	vld [tilespmem:s18+$0xF0]  }
0x2a: {  	v1 =	vld [tilespmem:s18+$0xFFFFFF10]  }
0x2b: {  	v2 =	vld [tilespmem:s18+$0xFFFFFF20]  }
0x2c: {  	v3 =	vld [tilespmem:s18+$0xFFFFFF30]  }
0x2d: {  	v4 =	vld [tilespmem:s18+$0xFFFFFF40]  }
0x2e: {  	v5 =	vld [tilespmem:s18+$0xFFFFFF50];
	[tilespmem:s19+$0x470] =	vst v0  }
0x2f: {  	[tilespmem:s19+$0xFFFFF810] =	vst v1;
	v0 =	vld [tilespmem:s18+$0xFFFFFF60]  }
0x30: {  	[tilespmem:s19+$0xFFFFF820] =	vst v2;
	v1 =	vld [tilespmem:s18+$0xFFFFFF70]  }
0x31: {  	[tilespmem:s19+$0xFFFFF830] =	vst v3;
	v2 =	vld [tilespmem:s18+$0xFFFFFF80]  }
0x32: {  	[tilespmem:s19+$0xFFFFF840] =	vst v4;
	v3 =	vld [tilespmem:s18+$0xFFFFFF90]  }
0x33: {  	[tilespmem:s19+$0xFFFFF850] =	vst v5;
	v4 =	vld [tilespmem:s18+$0xFFFFFFA0]  }
0x34: {  	v5 =	vld [tilespmem:s18+$0xA0];
	[tilespmem:s19+$0xFFFFF860] =	vst v0  }
0x35: {  	v0 =	vld [tilespmem:s18+$0xFFFFFFB0];
	[tilespmem:s19+$0xFFFFF870] =	vst v1  }
0x36: {  	v1 =	vld [tilespmem:s18+$0xFFFFFFC0];
	[tilespmem:s19+$0xFFFFFC00] =	vst v2  }
0x37: {  	[tilespmem:s19+$0xFFFFFC10] =	vst v3;
	v3 =	vld [tilespmem:s18+$0xFFFFFFE0]  }
0x38: {  	[tilespmem:s19+$0xFFFFFC20] =	vst v4;
	v4 =	vld [tilespmem:s18+$0xFFFFFFF0]  }
0x39: {  	v2 =	vld [tilespmem:s18+$0xFFFFFFD0];
	[tilespmem:s19+$0x420] =	vst v5  }
0x3a: {  	[tilespmem:s19+$0xFFFFFC30] =	vst v0;
	v0 =	vld [tilespmem:s18+$0x0]  }
0x3b: {  	[tilespmem:s19+$0xFFFFFC40] =	vst v1;
	v1 =	vld [tilespmem:s18+$0x10]  }
0x3c: {  	[tilespmem:s19+$0xFFFFFC60] =	vst v3;
	v3 =	vld [tilespmem:s18+$0x30]  }
0x3d: {  	[tilespmem:s19+$0xFFFFFC70] =	vst v4;
	v4 =	vld [tilespmem:s18+$0x40]  }
0x3e: {  	[tilespmem:s19+$0xFFFFFC50] =	vst v2;
	v2 =	vld [tilespmem:s18+$0x20]  }
0x3f: {  	[tilespmem:s19+$0x0] =	vst v0;
	v0 =	vld [tilespmem:s18+$0x50]  }
0x40: {  	[tilespmem:s19+$0x10] =	vst v1;
	v1 =	vld [tilespmem:s18+$0x60]  }
0x41: {  	[tilespmem:s19+$0x30] =	vst v3;
	v3 =	vld [tilespmem:s18+$0x80]  }
0x42: {  	[tilespmem:s19+$0x40] =	vst v4;
	v4 =	vld [tilespmem:s18+$0x90]  }
0x43: {  	[tilespmem:s19+$0x20] =	vst v2;
	v2 =	vld [tilespmem:s18+$0x70]  }
0x44: {  	[tilespmem:s19+$0x50] =	vst v0;
	v0 =	vld [tilespmem:s18+$0xB0]  }
0x45: {  	[tilespmem:s19+$0x60] =	vst v1;
	v1 =	vld [tilespmem:s18+$0xC0]  }
0x46: {  	[tilespmem:s19+$0x400] =	vst v3;
	v3 =	vld [tilespmem:s18+$0xD0]  }
0x47: {  	[tilespmem:s19+$0x410] =	vst v4;
	v4 =	vld [tilespmem:s18+$0xE0]  }
0x48: {  	s22 =	simm.s32 $0x0;
	s23 =	sadd.s32 $0x200, s18;
	s21 =	smov.u32 s19;
	[tilespmem:s19+$0x70] =	vst v2;
	v2 =	vld [tilespmem:s18+$0xFFFFFF00]  }
.LBB1_4:
0x49: {  	v5 =	vld [tilespmem:s23+$0xF0];
	s22 =	sadd.s32 $0x200, s22;
	[tilespmem:s21+$0x430] =	vst v0  }
0x4a: {  	v0 =	vld [tilespmem:s23+$0xFFFFFF10];
	p0 =	slt.u32 s22, $0x600;
	[tilespmem:s21+$0x440] =	vst v1  }
0x4b: {  	v1 =	vld [tilespmem:s23+$0xFFFFFF20];
	[tilespmem:s21+$0x450] =	vst v3  }
0x4c: {  	v3 =	vld [tilespmem:s23+$0xFFFFFF30];
	[tilespmem:s21+$0x460] =	vst v4  }
0x4d: {  	v4 =	vld [tilespmem:s23+$0xFFFFFF40];
	[tilespmem:s21+$0xFFFFF800] =	vst v2;
	s21 =	sadd.s32 $0x1000, s21  }
0x4e: {  	v2 =	vld [tilespmem:s23+$0xFFFFFF50];
	[tilespmem:s21+$0x470] =	vst v5  }
0x4f: {  	[tilespmem:s21+$0xFFFFF810] =	vst v0;
	v0 =	vld [tilespmem:s23+$0xFFFFFF60]  }
0x50: {  	[tilespmem:s21+$0xFFFFF820] =	vst v1;
	v1 =	vld [tilespmem:s23+$0xFFFFFF70]  }
0x51: {  	[tilespmem:s21+$0xFFFFF830] =	vst v3;
	v3 =	vld [tilespmem:s23+$0xFFFFFF80]  }
0x52: {  	[tilespmem:s21+$0xFFFFF840] =	vst v4;
	v4 =	vld [tilespmem:s23+$0xFFFFFF90]  }
0x53: {  	[tilespmem:s21+$0xFFFFF850] =	vst v2;
	v2 =	vld [tilespmem:s23+$0xFFFFFFA0]  }
0x54: {  	[tilespmem:s21+$0xFFFFF860] =	vst v0;
	v0 =	vld [tilespmem:s23+$0xFFFFFFB0]  }
0x55: {  	[tilespmem:s21+$0xFFFFF870] =	vst v1;
	v1 =	vld [tilespmem:s23+$0xFFFFFFC0]  }
0x56: {  	[tilespmem:s21+$0xFFFFFC00] =	vst v3;
	v3 =	vld [tilespmem:s23+$0xFFFFFFD0]  }
0x57: {  	[tilespmem:s21+$0xFFFFFC10] =	vst v4;
	v4 =	vld [tilespmem:s23+$0xFFFFFFE0]  }
0x58: {  	[tilespmem:s21+$0xFFFFFC20] =	vst v2;
	v2 =	vld [tilespmem:s23+$0xFFFFFFF0]  }
0x59: {  	[tilespmem:s21+$0xFFFFFC30] =	vst v0;
	v0 =	vld [tilespmem:s23+$0x0]  }
0x5a: {  	[tilespmem:s21+$0xFFFFFC40] =	vst v1;
	v1 =	vld [tilespmem:s23+$0x10]  }
0x5b: {  	[tilespmem:s21+$0xFFFFFC50] =	vst v3;
	v3 =	vld [tilespmem:s23+$0x20]  }
0x5c: {  	[tilespmem:s21+$0xFFFFFC60] =	vst v4;
	v4 =	vld [tilespmem:s23+$0x30]  }
0x5d: {  	[tilespmem:s21+$0xFFFFFC70] =	vst v2;
	v2 =	vld [tilespmem:s23+$0x40]  }
0x5e: {  	[tilespmem:s21+$0x0] =	vst v0;
	v0 =	vld [tilespmem:s23+$0x50]  }
0x5f: {  	[tilespmem:s21+$0x10] =	vst v1;
	v1 =	vld [tilespmem:s23+$0x60]  }
0x60: {  	[tilespmem:s21+$0x20] =	vst v3;
	v3 =	vld [tilespmem:s23+$0x70]  }
0x61: {  	[tilespmem:s21+$0x30] =	vst v4;
	v4 =	vld [tilespmem:s23+$0x80]  }
0x62: {  	[tilespmem:s21+$0x40] =	vst v2;
	v2 =	vld [tilespmem:s23+$0x90]  }
0x63: {  	[tilespmem:s21+$0x50] =	vst v0;
	v5 =	vld [tilespmem:s23+$0xA0]  }
.Ltmp3:
0x64: {  	[tilespmem:s21+$0x60] =	vst v1;
	v0 =	vld [tilespmem:s23+$0xB0];
	(pc) =	sbr.rel @p0 .LBB1_4-.Ltmp3, $4  }
0x65: {  	[tilespmem:s21+$0x70] =	vst v3;
	v1 =	vld [tilespmem:s23+$0xC0]  }
0x66: {  	[tilespmem:s21+$0x400] =	vst v4;
	v3 =	vld [tilespmem:s23+$0xD0]  }
0x67: {  	[tilespmem:s21+$0x410] =	vst v2;
	v4 =	vld [tilespmem:s23+$0xE0]  }
0x68: {  	v2 =	vld [tilespmem:s23+$0xFFFFFF00];
	[tilespmem:s21+$0x420] =	vst v5;
	s23 =	sadd.s32 $0x200, s23  }
0x69: {  	s20 =	sadd.s32 $0x1, s20  }
0x6a: {  	p0 =	sne.s32 s20, $0x8  }
.Ltmp4:
0x6b: {  	[tilespmem:s21+$0x430] =	vst v0;
	(pc) =	sbr.rel @p0 .LBB1_3-.Ltmp4, $4  }
0x6c: {  	[tilespmem:s21+$0x440] =	vst v1  }
0x6d: {  	[tilespmem:s21+$0x450] =	vst v3  }
0x6e: {  	[tilespmem:s21+$0x460] =	vst v4  }
0x6f: {  	s18 =	sadd.s32 $0x800, s18;
	s19 =	sadd.s32 $0x80, s19;
	[tilespmem:s21+$0xFFFFF800] =	vst v2  }
0x70: {  	s18 =	sand.u32 $0x78, s14;
	s19 =	sshll.u32 s16, $0xE;
	s20 =	sshll.u32 s14, $0x3  }
0x71: {  	s29 =	sshll.u32 s16, $0x7;
	s15 =	sshll.u32 s15, $0x13;
	s19 =	sand.u32 $0x3E0000, s19  }
0x72: {  	s16 =	sand.u32 $0x380, s29;
	s19 =	sadd.s32 s19, s20;
	s20 =	sand.u32 $0x3C00, s20  }
.Ltmp5:
0x73: {  	s16 =	sor.u32 s16, s18;
	s30 =	sshrl.u32 s19, $0x3;
	(pc) =	sbr.rel .LBB1_7-.Ltmp5, $4  }
0x74: {  	s15 =	sadd.s32 s7, s15;
	s16 =	sor.u32 s20, s16;
	s18 =	sand.u32 $0x7F800, s30  }
0x75: {  	s16 =	sshrl.u32 s16, $0x3;
	s15 =	sadd.s32 s18, s15  }
0x76: {  	s31 =	sand.u32 $0x7, s14;
	s15 =	sadd.s32 s16, s15  }
0x77: {  	[hbm4b:s15+s31] =	stream.linear.scatter [tilespmem:s17], [sflag:$0x2], $0x4000, $0x38;
	[tilespmem:$0x10000] =	vst v63  }
.LBB1_8:
0x78: {  	_ =	sfence.sel $0x180000  }
0x79: {  	s1 =	simm.s32 $0x1;
	[bflag:$0x0] =	sbarrier.arrive $0xFFFF  }
0x7a: {  	s31 =	simm.s32 $0x2;
	[sflag:s1] =	ssyncpa.u1 $0x1  }
0x7b: {  	[sflag:s31] =	ssyncpa.u1 $0x1  }
0x7c: {  	p0 =	sne.s32 s0, $0x0;
	_ =	strace $0x90000047  }
0x7d: {  	s0 =	sadd.s32 @!p0 $0x100000, s4;
	[bflag:$0x2] =	sbarrier.arrive $0xFFFF  }
0x7e: {  	[sflag:s0] =	ssyncadd.tile.s32 @!p0 $0x1;
	_ =	shalt  }
.Lfunc_end1:
_tile_overlayer_lowered:
.L_overlay_start_2:
0x7f: {  	(tag) =	ssettag $0x2  }
0x80: {  	s0 =	rddreg [dreg:$0x0];
	s2 =	stileid.u32  }
0x81: {  	s1 =	rddreg [dreg:$0x1];
	p0 =	sne.s32 s2, $0x0  }
0x82: {  	s3 =	rddreg [dreg:$0x2];
	[bflag:$0x3] =	sbarrier.arrive $0xFFFF;
	s2 =	simm.s32 @!p0 $0x1C01  }
0x83: {  	[timem:s3], [sflag:s2] =	dma.local @!p0 [hbm:s0], s1  }
0x84: {  	s0 =	simm.s32 @!p0 $0x1  }
0x85: {  	_ =	swait.ge @!p0 [sflag:s0], s1  }
0x86: {  	s1 =	ssub.s32 @!p0 $0x0, s1;
	[sflag:s0] =	ssyncset.done @!p0 $0x0  }
0x87: {  	[sflag:s0] =	ssyncadd.s32 @!p0 s1  }
0x88: {  	[bflag:$0x3] =	sbarrier.arrive $0xFFFF  }
0x89: {  	_ =	shalt  }

</sc_bundles>
